<compile_context>
chip_gen: v7x
topology: tpu7x:2x2x1
jax: 0.10.2.dev20260603
libtpu: 0.0.44.dev20260713+nightly
codegen_flags: <defaults>
</compile_context>

<pallas_src>
import functools

import jax
import jax.numpy as jnp
from jax import lax
from jax.experimental import pallas as pl
from jax.experimental.pallas import tpu as pltpu
from jax.experimental.pallas import tpu_sc as plsc

NUM_INPUTS = 160000
NUM_FEATURES = 256
NUM_OUTPUTS = 10000

NC = 2
NS = 16
FH = NUM_FEATURES // NC
CHUNK = 128
NCHUNKS = NUM_INPUTS // CHUNK
BASE_CHUNKS = NCHUNKS // NS
EXTRA_SUBS = NCHUNKS - NS * BASE_CHUNKS
NBUF = 3
NSTEPS = BASE_CHUNKS // NBUF
OCHUNK = 80
NOCHUNK = NUM_OUTPUTS // OCHUNK

_mesh = plsc.VectorSubcoreMesh(core_axis_name="c", subcore_axis_name="s")


@functools.partial(
    pl.kernel,
    out_type=jax.ShapeDtypeStruct((NUM_OUTPUTS, NUM_FEATURES), jnp.float32),
    mesh=_mesh,
    scratch_types=[
        [pltpu.VMEM((CHUNK,), jnp.int32) for _ in range(NBUF)],
        [pltpu.VMEM((CHUNK, FH), jnp.float32) for _ in range(NBUF)],
        [pltpu.SemaphoreType.DMA for _ in range(NBUF)],
        [pltpu.SemaphoreType.DMA for _ in range(NBUF)],
        pltpu.VMEM_SHARED((NUM_OUTPUTS, FH), jnp.float32),
    ],
)
def _sc_segment_sum(inp_hbm, idx_hbm, z_hbm, out_hbm,
                    idxs, rows, isems, rsems, acc):
    c = lax.axis_index("c")
    s = lax.axis_index("s")
    col0 = c * FH
    rbase = (s * BASE_CHUNKS + jnp.minimum(s, EXTRA_SUBS)) * CHUNK
    nchunk = jnp.where(s < EXTRA_SUBS, BASE_CHUNKS + 1, BASE_CHUNKS)
    nz = jnp.where(s < NOCHUNK - 7 * NS, 8, 7)

    def issue_loads(i, b):
        base = rbase + i * CHUNK
        pltpu.async_copy(idx_hbm.at[pl.ds(base, CHUNK)], idxs[b], isems[b])
        pltpu.async_copy(
            inp_hbm.at[pl.ds(base, CHUNK), pl.ds(col0, FH)], rows[b], rsems[b])

    def wait_loads(b):
        pltpu.make_async_copy(
            idx_hbm.at[pl.ds(0, CHUNK)], idxs[b], isems[b]).wait()
        pltpu.make_async_copy(
            inp_hbm.at[pl.ds(0, CHUNK), pl.ds(0, FH)], rows[b], rsems[b]).wait()

    for b in range(NBUF - 1):
        issue_loads(b, b)
    pltpu.sync_copy(z_hbm, rows[NBUF - 1].at[pl.ds(0, OCHUNK)])

    def zero_body(j, carry):
        r0 = (s + NS * j) * OCHUNK
        pltpu.sync_copy(rows[NBUF - 1].at[pl.ds(0, OCHUNK)],
                        acc.at[pl.ds(r0, OCHUNK)])
        return carry

    lax.fori_loop(0, nz, zero_body, 0)
    issue_loads(NBUF - 1, NBUF - 1)
    plsc.subcore_barrier()

    def step_body(step, carry):
        for b in range(NBUF):
            i = step * NBUF + b
            wait_loads(b)
            pltpu.sync_copy(rows[b], acc.at[idxs[b]], add=True)

            @pl.when(i + NBUF < nchunk)
            def _():
                issue_loads(i + NBUF, b)
        return carry

    lax.fori_loop(0, NSTEPS, step_body, 0)

    @pl.when(s < EXTRA_SUBS)
    def _():
        wait_loads(0)
        pltpu.sync_copy(rows[0], acc.at[idxs[0]], add=True)

    plsc.subcore_barrier()

    def out_body(j, carry):
        r0 = (s + NS * j) * OCHUNK
        pltpu.sync_copy(acc.at[pl.ds(r0, OCHUNK)],
                        rows[0].at[pl.ds(0, OCHUNK)])
        pltpu.sync_copy(rows[0].at[pl.ds(0, OCHUNK)],
                        out_hbm.at[pl.ds(r0, OCHUNK), pl.ds(col0, FH)])
        return carry

    lax.fori_loop(0, nz, out_body, 0)


def kernel(input, index, _):
    z = jnp.zeros((OCHUNK, FH), jnp.float32)
    out = _sc_segment_sum(input, index, z)
    return (input, index, out)

# --- scband reference (transcript-rebuilt; emitter-appended) ---
"""Pipeline reference for scband-scatter-op-38199439131136 (READ-ONLY COPY).

The authoritative reference and input builder live on the scoring server;
editing this copy changes nothing except your own understanding.
"""

import jax, jax.numpy as jnp
import numpy as np

NUM_INPUTS = 160000
NUM_FEATURES = 256
NUM_OUTPUTS = 10000

def setup_inputs(seed: int = 0) -> dict:
    key = jax.random.key(seed)
    k1, k2 = jax.random.split(key)
    inp = jax.random.normal(k1, (NUM_INPUTS, NUM_FEATURES), dtype=jnp.float32)
    idx = jnp.sort(jax.random.randint(k2, (NUM_INPUTS,), 0, NUM_OUTPUTS, dtype=jnp.int32))
    return {"input": inp, "index": idx, "_": 0}

def reference(input, index, _):
    # ScatterOp.forward: returns (input, index, scatter(input, index, dim=0, dim_size=num_outputs, reduce='sum'))
    out = jax.ops.segment_sum(input, index, num_segments=NUM_OUTPUTS)
    return (input, index, out)

if __name__ == "__main__":
    import jax
    _d = setup_inputs()
    print(jax.jit(kernel)(*tuple(_d.values())))

</pallas_src>

<mosaic_0001>
#map = affine_map<(d0, d1) -> (0, 0)>
#map1 = affine_map<(d0, d1) -> (0)>
module attributes {stable_mosaic.version = 14 : i64} {
  func.func @_sc_segment_sum(%arg0: i32, %arg1: i32, %arg2: memref<160000x256xf32, #tpu.memory_space<hbm>>, %arg3: memref<160000xi32, #tpu.memory_space<hbm>>, %arg4: memref<80x128xf32, #tpu.memory_space<hbm>>, %arg5: memref<10000x256xf32, #tpu.memory_space<hbm>>, %arg6: memref<128xi32, #tpu.memory_space<vmem>>, %arg7: memref<128xi32, #tpu.memory_space<vmem>>, %arg8: memref<128xi32, #tpu.memory_space<vmem>>, %arg9: memref<128x128xf32, #tpu.memory_space<vmem>>, %arg10: memref<128x128xf32, #tpu.memory_space<vmem>>, %arg11: memref<128x128xf32, #tpu.memory_space<vmem>>, %arg12: memref<!tpu.dma_semaphore, #tpu.memory_space<semaphore_mem>>, %arg13: memref<!tpu.dma_semaphore, #tpu.memory_space<semaphore_mem>>, %arg14: memref<!tpu.dma_semaphore, #tpu.memory_space<semaphore_mem>>, %arg15: memref<!tpu.dma_semaphore, #tpu.memory_space<semaphore_mem>>, %arg16: memref<!tpu.dma_semaphore, #tpu.memory_space<semaphore_mem>>, %arg17: memref<!tpu.dma_semaphore, #tpu.memory_space<semaphore_mem>>, %arg18: memref<10000x128xf32, #tpu.memory_space<vmem_shared>>) attributes {dimension_semantics = [#tpu.dimension_semantics<core_parallel>, #tpu.dimension_semantics<subcore_parallel>], iteration_bounds = array<i64: 2, 16>, scalar_prefetch = 0 : i64, scratch_operands = 13 : i64, tpu.core_type = #tpu.core_type<sc_vector_subcore>, window_params = [{transform_indices = #map}, {transform_indices = #map1}, {transform_indices = #map}, {transform_indices = #map}]} {
    %mul3A = arith.constant 128 : i32
    %mul3A_0 = arith.muli %arg0, %mul3A : i32
    %mul3A_1 = arith.constant 78 : i32
    %mul3A_2 = arith.muli %arg1, %mul3A_1 : i32
    %min3A = arith.constant 2 : i32
    %min3A_3 = arith.minsi %arg1, %min3A : i32
    %add3A = arith.addi %mul3A_2, %min3A_3 : i32
    %mul3A_4 = arith.constant 128 : i32
    %mul3A_5 = arith.muli %add3A, %mul3A_4 : i32
    %lt3A = arith.constant 2 : i32
    %lt3A_6 = arith.cmpi slt, %arg1, %lt3A : i32
    %jit3A = arith.constant 79 : i32
    %jit3A_7 = arith.constant 78 : i32
    %select_n3A = arith.select %lt3A_6, %jit3A, %jit3A_7 : i32
    %lt3A_8 = arith.constant 13 : i32
    %lt3A_9 = arith.cmpi slt, %arg1, %lt3A_8 : i32
    %jit3A_10 = arith.constant 8 : i32
    %jit3A_11 = arith.constant 7 : i32
    %select_n3A_12 = arith.select %lt3A_9, %jit3A_10, %jit3A_11 : i32
    %add3A_13 = arith.constant 0 : i32
    %add3A_14 = arith.addi %mul3A_5, %add3A_13 : i32
    %dma_start3A = tpu.memref_slice %arg3[%add3A_14] : memref<160000xi32, #tpu.memory_space<hbm>> -> memref<128xi32, #tpu.memory_space<hbm>>
    %dma_start3A_15 = tpu.memref_slice %arg3[%add3A_14] : memref<160000xi32, #tpu.memory_space<hbm>> -> memref<128xi32, #tpu.memory_space<hbm>>
    tpu.enqueue_dma source(%dma_start3A_15 : memref<128xi32, #tpu.memory_space<hbm>>) target(%arg6 : memref<128xi32, #tpu.memory_space<vmem>>) target_semaphore(%arg12 : memref<!tpu.dma_semaphore, #tpu.memory_space<semaphore_mem>>)
    %dma_start3A_16 = tpu.memref_slice %arg2[%add3A_14, %mul3A_0] : memref<160000x256xf32, #tpu.memory_space<hbm>> -> memref<128x128xf32, #tpu.memory_space<hbm>>
    %dma_start3A_17 = tpu.memref_slice %arg2[%add3A_14, %mul3A_0] : memref<160000x256xf32, #tpu.memory_space<hbm>> -> memref<128x128xf32, #tpu.memory_space<hbm>>
    tpu.enqueue_dma source(%dma_start3A_17 : memref<128x128xf32, #tpu.memory_space<hbm>>) target(%arg9 : memref<128x128xf32, #tpu.memory_space<vmem>>) target_semaphore(%arg15 : memref<!tpu.dma_semaphore, #tpu.memory_space<semaphore_mem>>)
    %add3A_18 = arith.constant 128 : i32
    %add3A_19 = arith.addi %mul3A_5, %add3A_18 : i32
    %dma_start3A_20 = tpu.memref_slice %arg3[%add3A_19] : memref<160000xi32, #tpu.memory_space<hbm>> -> memref<128xi32, #tpu.memory_space<hbm>>
    %dma_start3A_21 = tpu.memref_slice %arg3[%add3A_19] : memref<160000xi32, #tpu.memory_space<hbm>> -> memref<128xi32, #tpu.memory_space<hbm>>
    tpu.enqueue_dma source(%dma_start3A_21 : memref<128xi32, #tpu.memory_space<hbm>>) target(%arg7 : memref<128xi32, #tpu.memory_space<vmem>>) target_semaphore(%arg13 : memref<!tpu.dma_semaphore, #tpu.memory_space<semaphore_mem>>)
    %dma_start3A_22 = tpu.memref_slice %arg2[%add3A_19, %mul3A_0] : memref<160000x256xf32, #tpu.memory_space<hbm>> -> memref<128x128xf32, #tpu.memory_space<hbm>>
    %dma_start3A_23 = tpu.memref_slice %arg2[%add3A_19, %mul3A_0] : memref<160000x256xf32, #tpu.memory_space<hbm>> -> memref<128x128xf32, #tpu.memory_space<hbm>>
    tpu.enqueue_dma source(%dma_start3A_23 : memref<128x128xf32, #tpu.memory_space<hbm>>) target(%arg10 : memref<128x128xf32, #tpu.memory_space<vmem>>) target_semaphore(%arg16 : memref<!tpu.dma_semaphore, #tpu.memory_space<semaphore_mem>>)
    "tpu.region"() ({
      %run_scoped3A = tpu.sem_alloc : memref<!tpu.dma_semaphore, #tpu.memory_space<semaphore_mem>>
      %dma_start3A_58 = arith.constant 0 : i32
      %dma_start3A_59 = arith.constant 0 : i32
      %dma_start3A_60 = tpu.memref_slice %arg11[%dma_start3A_58, %dma_start3A_59] : memref<128x128xf32, #tpu.memory_space<vmem>> -> memref<80x128xf32, #tpu.memory_space<vmem>>
      %dma_start3A_61 = arith.constant 0 : i32
      %dma_start3A_62 = arith.constant 0 : i32
      %dma_start3A_63 = tpu.memref_slice %arg11[%dma_start3A_61, %dma_start3A_62] : memref<128x128xf32, #tpu.memory_space<vmem>> -> memref<80x128xf32, #tpu.memory_space<vmem>>
      tpu.enqueue_dma source(%arg4 : memref<80x128xf32, #tpu.memory_space<hbm>>) target(%dma_start3A_63 : memref<80x128xf32, #tpu.memory_space<vmem>>) target_semaphore(%run_scoped3A : memref<!tpu.dma_semaphore, #tpu.memory_space<semaphore_mem>>)
      %dma_wait3A = arith.constant 0 : i32
      %dma_wait3A_64 = arith.constant 0 : i32
      %dma_wait3A_65 = tpu.memref_slice %arg11[%dma_wait3A, %dma_wait3A_64] : memref<128x128xf32, #tpu.memory_space<vmem>> -> memref<80x128xf32, #tpu.memory_space<vmem>>
      %dma_wait3A_66 = arith.constant 0 : i32
      %dma_wait3A_67 = arith.constant 0 : i32
      %dma_wait3A_68 = tpu.memref_slice %arg11[%dma_wait3A_66, %dma_wait3A_67] : memref<128x128xf32, #tpu.memory_space<vmem>> -> memref<80x128xf32, #tpu.memory_space<vmem>>
      tpu.wait_dma2 semaphore(%run_scoped3A : memref<!tpu.dma_semaphore, #tpu.memory_space<semaphore_mem>>) src(%arg4 : memref<80x128xf32, #tpu.memory_space<hbm>>) dst(%dma_wait3A_68 : memref<80x128xf32, #tpu.memory_space<vmem>>)
      tpu.yield
    }) : () -> ()
    %while3A = arith.constant 0 : i32
    %while3A_24 = arith.constant 0 : i32
    %while3A_25 = arith.subi %select_n3A_12, %while3A_24 : i32
    %while3A_26 = arith.addi %while3A_24, %while3A_25 : i32
    %while3A_27 = arith.constant 1 : i32
    %while3A_28 = arith.divsi %while3A_25, %while3A_27 : i32
    %while3A_29 = arith.muli %while3A_28, %while3A_27 : i32
    %while3A_30 = arith.addi %while3A_24, %while3A_29 : i32
    %while3A_31 = arith.constant 1 : i32
    scf.for %while3A_58 = %while3A_24 to %while3A_30 step %while3A_31  : i32 {
      %mul3A_59 = arith.constant 16 : i32
      %mul3A_60 = arith.muli %mul3A_59, %while3A_58 : i32
      %add3A_61 = arith.addi %arg1, %mul3A_60 : i32
      %mul3A_62 = arith.constant 80 : i32
      %mul3A_63 = arith.muli %add3A_61, %mul3A_62 : i32
      "tpu.region"() ({
        %run_scoped3A = tpu.sem_alloc : memref<!tpu.dma_semaphore, #tpu.memory_space<semaphore_mem>>
        %dma_start3A_64 = arith.constant 0 : i32
        %dma_start3A_65 = arith.constant 0 : i32
        %dma_start3A_66 = tpu.memref_slice %arg11[%dma_start3A_64, %dma_start3A_65] : memref<128x128xf32, #tpu.memory_space<vmem>> -> memref<80x128xf32, #tpu.memory_space<vmem>>
        %dma_start3A_67 = arith.constant 0 : i32
        %dma_start3A_68 = tpu.memref_slice %arg18[%mul3A_63, %dma_start3A_67] : memref<10000x128xf32, #tpu.memory_space<vmem_shared>> -> memref<80x128xf32, #tpu.memory_space<vmem_shared>>
        %dma_start3A_69 = arith.constant 0 : i32
        %dma_start3A_70 = tpu.memref_slice %arg18[%mul3A_63, %dma_start3A_69] : memref<10000x128xf32, #tpu.memory_space<vmem_shared>> -> memref<80x128xf32, #tpu.memory_space<vmem_shared>>
        %dma_start3A_71 = arith.constant 0 : i32
        %dma_start3A_72 = arith.constant 0 : i32
        %dma_start3A_73 = tpu.memref_slice %arg11[%dma_start3A_71, %dma_start3A_72] : memref<128x128xf32, #tpu.memory_space<vmem>> -> memref<80x128xf32, #tpu.memory_space<vmem>>
        tpu.enqueue_dma source(%dma_start3A_73 : memref<80x128xf32, #tpu.memory_space<vmem>>) target(%dma_start3A_70 : memref<80x128xf32, #tpu.memory_space<vmem_shared>>) target_semaphore(%run_scoped3A : memref<!tpu.dma_semaphore, #tpu.memory_space<semaphore_mem>>)
        %dma_wait3A = arith.constant 0 : i32
        %dma_wait3A_74 = arith.constant 0 : i32
        %dma_wait3A_75 = tpu.memref_slice %arg11[%dma_wait3A, %dma_wait3A_74] : memref<128x128xf32, #tpu.memory_space<vmem>> -> memref<80x128xf32, #tpu.memory_space<vmem>>
        %dma_wait3A_76 = arith.constant 0 : i32
        %dma_wait3A_77 = tpu.memref_slice %arg18[%mul3A_63, %dma_wait3A_76] : memref<10000x128xf32, #tpu.memory_space<vmem_shared>> -> memref<80x128xf32, #tpu.memory_space<vmem_shared>>
        %dma_wait3A_78 = arith.constant 0 : i32
        %dma_wait3A_79 = tpu.memref_slice %arg18[%mul3A_63, %dma_wait3A_78] : memref<10000x128xf32, #tpu.memory_space<vmem_shared>> -> memref<80x128xf32, #tpu.memory_space<vmem_shared>>
        %dma_wait3A_80 = arith.constant 0 : i32
        %dma_wait3A_81 = arith.constant 0 : i32
        %dma_wait3A_82 = tpu.memref_slice %arg11[%dma_wait3A_80, %dma_wait3A_81] : memref<128x128xf32, #tpu.memory_space<vmem>> -> memref<80x128xf32, #tpu.memory_space<vmem>>
        tpu.wait_dma2 semaphore(%run_scoped3A : memref<!tpu.dma_semaphore, #tpu.memory_space<semaphore_mem>>) src(%dma_wait3A_82 : memref<80x128xf32, #tpu.memory_space<vmem>>) dst(%dma_wait3A_79 : memref<80x128xf32, #tpu.memory_space<vmem_shared>>)
        tpu.yield
      }) : () -> ()
    }
    %while3A_32 = arith.constant 1 : i32
    scf.for %while3A_58 = %while3A_30 to %while3A_26 step %while3A_32  : i32 {
      %mul3A_59 = arith.constant 16 : i32
      %mul3A_60 = arith.muli %mul3A_59, %while3A_58 : i32
      %add3A_61 = arith.addi %arg1, %mul3A_60 : i32
      %mul3A_62 = arith.constant 80 : i32
      %mul3A_63 = arith.muli %add3A_61, %mul3A_62 : i32
      "tpu.region"() ({
        %run_scoped3A = tpu.sem_alloc : memref<!tpu.dma_semaphore, #tpu.memory_space<semaphore_mem>>
        %dma_start3A_64 = arith.constant 0 : i32
        %dma_start3A_65 = arith.constant 0 : i32
        %dma_start3A_66 = tpu.memref_slice %arg11[%dma_start3A_64, %dma_start3A_65] : memref<128x128xf32, #tpu.memory_space<vmem>> -> memref<80x128xf32, #tpu.memory_space<vmem>>
        %dma_start3A_67 = arith.constant 0 : i32
        %dma_start3A_68 = tpu.memref_slice %arg18[%mul3A_63, %dma_start3A_67] : memref<10000x128xf32, #tpu.memory_space<vmem_shared>> -> memref<80x128xf32, #tpu.memory_space<vmem_shared>>
        %dma_start3A_69 = arith.constant 0 : i32
        %dma_start3A_70 = tpu.memref_slice %arg18[%mul3A_63, %dma_start3A_69] : memref<10000x128xf32, #tpu.memory_space<vmem_shared>> -> memref<80x128xf32, #tpu.memory_space<vmem_shared>>
        %dma_start3A_71 = arith.constant 0 : i32
        %dma_start3A_72 = arith.constant 0 : i32
        %dma_start3A_73 = tpu.memref_slice %arg11[%dma_start3A_71, %dma_start3A_72] : memref<128x128xf32, #tpu.memory_space<vmem>> -> memref<80x128xf32, #tpu.memory_space<vmem>>
        tpu.enqueue_dma source(%dma_start3A_73 : memref<80x128xf32, #tpu.memory_space<vmem>>) target(%dma_start3A_70 : memref<80x128xf32, #tpu.memory_space<vmem_shared>>) target_semaphore(%run_scoped3A : memref<!tpu.dma_semaphore, #tpu.memory_space<semaphore_mem>>)
        %dma_wait3A = arith.constant 0 : i32
        %dma_wait3A_74 = arith.constant 0 : i32
        %dma_wait3A_75 = tpu.memref_slice %arg11[%dma_wait3A, %dma_wait3A_74] : memref<128x128xf32, #tpu.memory_space<vmem>> -> memref<80x128xf32, #tpu.memory_space<vmem>>
        %dma_wait3A_76 = arith.constant 0 : i32
        %dma_wait3A_77 = tpu.memref_slice %arg18[%mul3A_63, %dma_wait3A_76] : memref<10000x128xf32, #tpu.memory_space<vmem_shared>> -> memref<80x128xf32, #tpu.memory_space<vmem_shared>>
        %dma_wait3A_78 = arith.constant 0 : i32
        %dma_wait3A_79 = tpu.memref_slice %arg18[%mul3A_63, %dma_wait3A_78] : memref<10000x128xf32, #tpu.memory_space<vmem_shared>> -> memref<80x128xf32, #tpu.memory_space<vmem_shared>>
        %dma_wait3A_80 = arith.constant 0 : i32
        %dma_wait3A_81 = arith.constant 0 : i32
        %dma_wait3A_82 = tpu.memref_slice %arg11[%dma_wait3A_80, %dma_wait3A_81] : memref<128x128xf32, #tpu.memory_space<vmem>> -> memref<80x128xf32, #tpu.memory_space<vmem>>
        tpu.wait_dma2 semaphore(%run_scoped3A : memref<!tpu.dma_semaphore, #tpu.memory_space<semaphore_mem>>) src(%dma_wait3A_82 : memref<80x128xf32, #tpu.memory_space<vmem>>) dst(%dma_wait3A_79 : memref<80x128xf32, #tpu.memory_space<vmem_shared>>)
        tpu.yield
      }) : () -> ()
    }
    %add3A_33 = arith.constant 256 : i32
    %add3A_34 = arith.addi %mul3A_5, %add3A_33 : i32
    %dma_start3A_35 = tpu.memref_slice %arg3[%add3A_34] : memref<160000xi32, #tpu.memory_space<hbm>> -> memref<128xi32, #tpu.memory_space<hbm>>
    %dma_start3A_36 = tpu.memref_slice %arg3[%add3A_34] : memref<160000xi32, #tpu.memory_space<hbm>> -> memref<128xi32, #tpu.memory_space<hbm>>
    tpu.enqueue_dma source(%dma_start3A_36 : memref<128xi32, #tpu.memory_space<hbm>>) target(%arg8 : memref<128xi32, #tpu.memory_space<vmem>>) target_semaphore(%arg14 : memref<!tpu.dma_semaphore, #tpu.memory_space<semaphore_mem>>)
    %dma_start3A_37 = tpu.memref_slice %arg2[%add3A_34, %mul3A_0] : memref<160000x256xf32, #tpu.memory_space<hbm>> -> memref<128x128xf32, #tpu.memory_space<hbm>>
    %dma_start3A_38 = tpu.memref_slice %arg2[%add3A_34, %mul3A_0] : memref<160000x256xf32, #tpu.memory_space<hbm>> -> memref<128x128xf32, #tpu.memory_space<hbm>>
    tpu.enqueue_dma source(%dma_start3A_38 : memref<128x128xf32, #tpu.memory_space<hbm>>) target(%arg11 : memref<128x128xf32, #tpu.memory_space<vmem>>) target_semaphore(%arg17 : memref<!tpu.dma_semaphore, #tpu.memory_space<semaphore_mem>>)
    %barrier3A = arith.constant 0 : index
    tpu.barrier barrier_id(%barrier3A)
    %scan3A = arith.constant 0 : i32
    %scan3A_39 = arith.constant 0 : i32
    %scan3A_40 = arith.constant 26 : i32
    %scan3A_41 = arith.addi %scan3A_39, %scan3A_40 : i32
    %scan3A_42 = arith.constant 1 : i32
    scf.for %scan3A_58 = %scan3A_39 to %scan3A_41 step %scan3A_42  : i32 {
      %mul3A_59 = arith.constant 3 : i32
      %mul3A_60 = arith.muli %scan3A_58, %mul3A_59 : i32
      %add3A_61 = arith.constant 0 : i32
      %add3A_62 = arith.addi %mul3A_60, %add3A_61 : i32
      %dma_wait3A = arith.constant 0 : i32
      %dma_wait3A_63 = tpu.memref_slice %arg3[%dma_wait3A] : memref<160000xi32, #tpu.memory_space<hbm>> -> memref<128xi32, #tpu.memory_space<hbm>>
      %dma_wait3A_64 = arith.constant 0 : i32
      %dma_wait3A_65 = tpu.memref_slice %arg3[%dma_wait3A_64] : memref<160000xi32, #tpu.memory_space<hbm>> -> memref<128xi32, #tpu.memory_space<hbm>>
      tpu.wait_dma2 semaphore(%arg12 : memref<!tpu.dma_semaphore, #tpu.memory_space<semaphore_mem>>) src(%dma_wait3A_65 : memref<128xi32, #tpu.memory_space<hbm>>) dst(%arg6 : memref<128xi32, #tpu.memory_space<vmem>>)
      %dma_wait3A_66 = arith.constant 0 : i32
      %dma_wait3A_67 = arith.constant 0 : i32
      %dma_wait3A_68 = tpu.memref_slice %arg2[%dma_wait3A_66, %dma_wait3A_67] : memref<160000x256xf32, #tpu.memory_space<hbm>> -> memref<128x128xf32, #tpu.memory_space<hbm>>
      %dma_wait3A_69 = arith.constant 0 : i32
      %dma_wait3A_70 = arith.constant 0 : i32
      %dma_wait3A_71 = tpu.memref_slice %arg2[%dma_wait3A_69, %dma_wait3A_70] : memref<160000x256xf32, #tpu.memory_space<hbm>> -> memref<128x128xf32, #tpu.memory_space<hbm>>
      tpu.wait_dma2 semaphore(%arg15 : memref<!tpu.dma_semaphore, #tpu.memory_space<semaphore_mem>>) src(%dma_wait3A_71 : memref<128x128xf32, #tpu.memory_space<hbm>>) dst(%arg9 : memref<128x128xf32, #tpu.memory_space<vmem>>)
      "tpu.region"() ({
        %run_scoped3A = tpu.sem_alloc : memref<!tpu.dma_semaphore, #tpu.memory_space<semaphore_mem>>
        %dma_start3A_118 = arith.constant 0 : i32
        %dma_start3A_119 = arith.constant 0 : i32
        %dma_start3A_120 = tpu.memref_slice %arg18[%dma_start3A_118, %dma_start3A_119] : memref<10000x128xf32, #tpu.memory_space<vmem_shared>> -> memref<10000x128xf32, #tpu.memory_space<vmem_shared>>
        tpu.enqueue_indirect_dma source(%arg9 : memref<128x128xf32, #tpu.memory_space<vmem>>) target(%dma_start3A_120 : memref<10000x128xf32, #tpu.memory_space<vmem_shared>>) offsets(%arg6 : memref<128xi32, #tpu.memory_space<vmem>>) semaphore(%run_scoped3A : memref<!tpu.dma_semaphore, #tpu.memory_space<semaphore_mem>>) {add = true}
        %dma_wait3A_121 = arith.constant 0 : i32
        %dma_wait3A_122 = arith.constant 0 : i32
        %dma_wait3A_123 = tpu.memref_slice %arg18[%dma_wait3A_121, %dma_wait3A_122] : memref<10000x128xf32, #tpu.memory_space<vmem_shared>> -> memref<10000x128xf32, #tpu.memory_space<vmem_shared>>
        tpu.wait_indirect_dma semaphore(%run_scoped3A : memref<!tpu.dma_semaphore, #tpu.memory_space<semaphore_mem>>) src(%arg9 : memref<128x128xf32, #tpu.memory_space<vmem>>) dst(%dma_wait3A_123 : memref<10000x128xf32, #tpu.memory_space<vmem_shared>>)
        tpu.yield
      }) : () -> ()
      %add3A_72 = arith.constant 3 : i32
      %add3A_73 = arith.addi %add3A_62, %add3A_72 : i32
      %lt3A_74 = arith.cmpi slt, %add3A_73, %select_n3A : i32
      %convert_element_type3A_75 = arith.extui %lt3A_74 : i1 to i32
      %cond3A_76 = arith.constant 0 : i32
      %cond3A_77 = arith.cmpi ne, %convert_element_type3A_75, %cond3A_76 : i32
      scf.if %cond3A_77 {
        %add3A_118 = arith.constant 3 : i32
        %add3A_119 = arith.addi %add3A_62, %add3A_118 : i32
        %mul3A_120 = arith.constant 128 : i32
        %mul3A_121 = arith.muli %add3A_119, %mul3A_120 : i32
        %add3A_122 = arith.addi %mul3A_5, %mul3A_121 : i32
        %dma_start3A_123 = tpu.memref_slice %arg3[%add3A_122] : memref<160000xi32, #tpu.memory_space<hbm>> -> memref<128xi32, #tpu.memory_space<hbm>>
        %dma_start3A_124 = tpu.memref_slice %arg3[%add3A_122] : memref<160000xi32, #tpu.memory_space<hbm>> -> memref<128xi32, #tpu.memory_space<hbm>>
        tpu.enqueue_dma source(%dma_start3A_124 : memref<128xi32, #tpu.memory_space<hbm>>) target(%arg6 : memref<128xi32, #tpu.memory_space<vmem>>) target_semaphore(%arg12 : memref<!tpu.dma_semaphore, #tpu.memory_space<semaphore_mem>>)
        %dma_start3A_125 = tpu.memref_slice %arg2[%add3A_122, %mul3A_0] : memref<160000x256xf32, #tpu.memory_space<hbm>> -> memref<128x128xf32, #tpu.memory_space<hbm>>
        %dma_start3A_126 = tpu.memref_slice %arg2[%add3A_122, %mul3A_0] : memref<160000x256xf32, #tpu.memory_space<hbm>> -> memref<128x128xf32, #tpu.memory_space<hbm>>
        tpu.enqueue_dma source(%dma_start3A_126 : memref<128x128xf32, #tpu.memory_space<hbm>>) target(%arg9 : memref<128x128xf32, #tpu.memory_space<vmem>>) target_semaphore(%arg15 : memref<!tpu.dma_semaphore, #tpu.memory_space<semaphore_mem>>)
      } else {
      }
      %mul3A_78 = arith.constant 3 : i32
      %mul3A_79 = arith.muli %scan3A_58, %mul3A_78 : i32
      %add3A_80 = arith.constant 1 : i32
      %add3A_81 = arith.addi %mul3A_79, %add3A_80 : i32
      %dma_wait3A_82 = arith.constant 0 : i32
      %dma_wait3A_83 = tpu.memref_slice %arg3[%dma_wait3A_82] : memref<160000xi32, #tpu.memory_space<hbm>> -> memref<128xi32, #tpu.memory_space<hbm>>
      %dma_wait3A_84 = arith.constant 0 : i32
      %dma_wait3A_85 = tpu.memref_slice %arg3[%dma_wait3A_84] : memref<160000xi32, #tpu.memory_space<hbm>> -> memref<128xi32, #tpu.memory_space<hbm>>
      tpu.wait_dma2 semaphore(%arg13 : memref<!tpu.dma_semaphore, #tpu.memory_space<semaphore_mem>>) src(%dma_wait3A_85 : memref<128xi32, #tpu.memory_space<hbm>>) dst(%arg7 : memref<128xi32, #tpu.memory_space<vmem>>)
      %dma_wait3A_86 = arith.constant 0 : i32
      %dma_wait3A_87 = arith.constant 0 : i32
      %dma_wait3A_88 = tpu.memref_slice %arg2[%dma_wait3A_86, %dma_wait3A_87] : memref<160000x256xf32, #tpu.memory_space<hbm>> -> memref<128x128xf32, #tpu.memory_space<hbm>>
      %dma_wait3A_89 = arith.constant 0 : i32
      %dma_wait3A_90 = arith.constant 0 : i32
      %dma_wait3A_91 = tpu.memref_slice %arg2[%dma_wait3A_89, %dma_wait3A_90] : memref<160000x256xf32, #tpu.memory_space<hbm>> -> memref<128x128xf32, #tpu.memory_space<hbm>>
      tpu.wait_dma2 semaphore(%arg16 : memref<!tpu.dma_semaphore, #tpu.memory_space<semaphore_mem>>) src(%dma_wait3A_91 : memref<128x128xf32, #tpu.memory_space<hbm>>) dst(%arg10 : memref<128x128xf32, #tpu.memory_space<vmem>>)
      "tpu.region"() ({
        %run_scoped3A = tpu.sem_alloc : memref<!tpu.dma_semaphore, #tpu.memory_space<semaphore_mem>>
        %dma_start3A_118 = arith.constant 0 : i32
        %dma_start3A_119 = arith.constant 0 : i32
        %dma_start3A_120 = tpu.memref_slice %arg18[%dma_start3A_118, %dma_start3A_119] : memref<10000x128xf32, #tpu.memory_space<vmem_shared>> -> memref<10000x128xf32, #tpu.memory_space<vmem_shared>>
        tpu.enqueue_indirect_dma source(%arg10 : memref<128x128xf32, #tpu.memory_space<vmem>>) target(%dma_start3A_120 : memref<10000x128xf32, #tpu.memory_space<vmem_shared>>) offsets(%arg7 : memref<128xi32, #tpu.memory_space<vmem>>) semaphore(%run_scoped3A : memref<!tpu.dma_semaphore, #tpu.memory_space<semaphore_mem>>) {add = true}
        %dma_wait3A_121 = arith.constant 0 : i32
        %dma_wait3A_122 = arith.constant 0 : i32
        %dma_wait3A_123 = tpu.memref_slice %arg18[%dma_wait3A_121, %dma_wait3A_122] : memref<10000x128xf32, #tpu.memory_space<vmem_shared>> -> memref<10000x128xf32, #tpu.memory_space<vmem_shared>>
        tpu.wait_indirect_dma semaphore(%run_scoped3A : memref<!tpu.dma_semaphore, #tpu.memory_space<semaphore_mem>>) src(%arg10 : memref<128x128xf32, #tpu.memory_space<vmem>>) dst(%dma_wait3A_123 : memref<10000x128xf32, #tpu.memory_space<vmem_shared>>)
        tpu.yield
      }) : () -> ()
      %add3A_92 = arith.constant 3 : i32
      %add3A_93 = arith.addi %add3A_81, %add3A_92 : i32
      %lt3A_94 = arith.cmpi slt, %add3A_93, %select_n3A : i32
      %convert_element_type3A_95 = arith.extui %lt3A_94 : i1 to i32
      %cond3A_96 = arith.constant 0 : i32
      %cond3A_97 = arith.cmpi ne, %convert_element_type3A_95, %cond3A_96 : i32
      scf.if %cond3A_97 {
        %add3A_118 = arith.constant 3 : i32
        %add3A_119 = arith.addi %add3A_81, %add3A_118 : i32
        %mul3A_120 = arith.constant 128 : i32
        %mul3A_121 = arith.muli %add3A_119, %mul3A_120 : i32
        %add3A_122 = arith.addi %mul3A_5, %mul3A_121 : i32
        %dma_start3A_123 = tpu.memref_slice %arg3[%add3A_122] : memref<160000xi32, #tpu.memory_space<hbm>> -> memref<128xi32, #tpu.memory_space<hbm>>
        %dma_start3A_124 = tpu.memref_slice %arg3[%add3A_122] : memref<160000xi32, #tpu.memory_space<hbm>> -> memref<128xi32, #tpu.memory_space<hbm>>
        tpu.enqueue_dma source(%dma_start3A_124 : memref<128xi32, #tpu.memory_space<hbm>>) target(%arg7 : memref<128xi32, #tpu.memory_space<vmem>>) target_semaphore(%arg13 : memref<!tpu.dma_semaphore, #tpu.memory_space<semaphore_mem>>)
        %dma_start3A_125 = tpu.memref_slice %arg2[%add3A_122, %mul3A_0] : memref<160000x256xf32, #tpu.memory_space<hbm>> -> memref<128x128xf32, #tpu.memory_space<hbm>>
        %dma_start3A_126 = tpu.memref_slice %arg2[%add3A_122, %mul3A_0] : memref<160000x256xf32, #tpu.memory_space<hbm>> -> memref<128x128xf32, #tpu.memory_space<hbm>>
        tpu.enqueue_dma source(%dma_start3A_126 : memref<128x128xf32, #tpu.memory_space<hbm>>) target(%arg10 : memref<128x128xf32, #tpu.memory_space<vmem>>) target_semaphore(%arg16 : memref<!tpu.dma_semaphore, #tpu.memory_space<semaphore_mem>>)
      } else {
      }
      %mul3A_98 = arith.constant 3 : i32
      %mul3A_99 = arith.muli %scan3A_58, %mul3A_98 : i32
      %add3A_100 = arith.constant 2 : i32
      %add3A_101 = arith.addi %mul3A_99, %add3A_100 : i32
      %dma_wait3A_102 = arith.constant 0 : i32
      %dma_wait3A_103 = tpu.memref_slice %arg3[%dma_wait3A_102] : memref<160000xi32, #tpu.memory_space<hbm>> -> memref<128xi32, #tpu.memory_space<hbm>>
      %dma_wait3A_104 = arith.constant 0 : i32
      %dma_wait3A_105 = tpu.memref_slice %arg3[%dma_wait3A_104] : memref<160000xi32, #tpu.memory_space<hbm>> -> memref<128xi32, #tpu.memory_space<hbm>>
      tpu.wait_dma2 semaphore(%arg14 : memref<!tpu.dma_semaphore, #tpu.memory_space<semaphore_mem>>) src(%dma_wait3A_105 : memref<128xi32, #tpu.memory_space<hbm>>) dst(%arg8 : memref<128xi32, #tpu.memory_space<vmem>>)
      %dma_wait3A_106 = arith.constant 0 : i32
      %dma_wait3A_107 = arith.constant 0 : i32
      %dma_wait3A_108 = tpu.memref_slice %arg2[%dma_wait3A_106, %dma_wait3A_107] : memref<160000x256xf32, #tpu.memory_space<hbm>> -> memref<128x128xf32, #tpu.memory_space<hbm>>
      %dma_wait3A_109 = arith.constant 0 : i32
      %dma_wait3A_110 = arith.constant 0 : i32
      %dma_wait3A_111 = tpu.memref_slice %arg2[%dma_wait3A_109, %dma_wait3A_110] : memref<160000x256xf32, #tpu.memory_space<hbm>> -> memref<128x128xf32, #tpu.memory_space<hbm>>
      tpu.wait_dma2 semaphore(%arg17 : memref<!tpu.dma_semaphore, #tpu.memory_space<semaphore_mem>>) src(%dma_wait3A_111 : memref<128x128xf32, #tpu.memory_space<hbm>>) dst(%arg11 : memref<128x128xf32, #tpu.memory_space<vmem>>)
      "tpu.region"() ({
        %run_scoped3A = tpu.sem_alloc : memref<!tpu.dma_semaphore, #tpu.memory_space<semaphore_mem>>
        %dma_start3A_118 = arith.constant 0 : i32
        %dma_start3A_119 = arith.constant 0 : i32
        %dma_start3A_120 = tpu.memref_slice %arg18[%dma_start3A_118, %dma_start3A_119] : memref<10000x128xf32, #tpu.memory_space<vmem_shared>> -> memref<10000x128xf32, #tpu.memory_space<vmem_shared>>
        tpu.enqueue_indirect_dma source(%arg11 : memref<128x128xf32, #tpu.memory_space<vmem>>) target(%dma_start3A_120 : memref<10000x128xf32, #tpu.memory_space<vmem_shared>>) offsets(%arg8 : memref<128xi32, #tpu.memory_space<vmem>>) semaphore(%run_scoped3A : memref<!tpu.dma_semaphore, #tpu.memory_space<semaphore_mem>>) {add = true}
        %dma_wait3A_121 = arith.constant 0 : i32
        %dma_wait3A_122 = arith.constant 0 : i32
        %dma_wait3A_123 = tpu.memref_slice %arg18[%dma_wait3A_121, %dma_wait3A_122] : memref<10000x128xf32, #tpu.memory_space<vmem_shared>> -> memref<10000x128xf32, #tpu.memory_space<vmem_shared>>
        tpu.wait_indirect_dma semaphore(%run_scoped3A : memref<!tpu.dma_semaphore, #tpu.memory_space<semaphore_mem>>) src(%arg11 : memref<128x128xf32, #tpu.memory_space<vmem>>) dst(%dma_wait3A_123 : memref<10000x128xf32, #tpu.memory_space<vmem_shared>>)
        tpu.yield
      }) : () -> ()
      %add3A_112 = arith.constant 3 : i32
      %add3A_113 = arith.addi %add3A_101, %add3A_112 : i32
      %lt3A_114 = arith.cmpi slt, %add3A_113, %select_n3A : i32
      %convert_element_type3A_115 = arith.extui %lt3A_114 : i1 to i32
      %cond3A_116 = arith.constant 0 : i32
      %cond3A_117 = arith.cmpi ne, %convert_element_type3A_115, %cond3A_116 : i32
      scf.if %cond3A_117 {
        %add3A_118 = arith.constant 3 : i32
        %add3A_119 = arith.addi %add3A_101, %add3A_118 : i32
        %mul3A_120 = arith.constant 128 : i32
        %mul3A_121 = arith.muli %add3A_119, %mul3A_120 : i32
        %add3A_122 = arith.addi %mul3A_5, %mul3A_121 : i32
        %dma_start3A_123 = tpu.memref_slice %arg3[%add3A_122] : memref<160000xi32, #tpu.memory_space<hbm>> -> memref<128xi32, #tpu.memory_space<hbm>>
        %dma_start3A_124 = tpu.memref_slice %arg3[%add3A_122] : memref<160000xi32, #tpu.memory_space<hbm>> -> memref<128xi32, #tpu.memory_space<hbm>>
        tpu.enqueue_dma source(%dma_start3A_124 : memref<128xi32, #tpu.memory_space<hbm>>) target(%arg8 : memref<128xi32, #tpu.memory_space<vmem>>) target_semaphore(%arg14 : memref<!tpu.dma_semaphore, #tpu.memory_space<semaphore_mem>>)
        %dma_start3A_125 = tpu.memref_slice %arg2[%add3A_122, %mul3A_0] : memref<160000x256xf32, #tpu.memory_space<hbm>> -> memref<128x128xf32, #tpu.memory_space<hbm>>
        %dma_start3A_126 = tpu.memref_slice %arg2[%add3A_122, %mul3A_0] : memref<160000x256xf32, #tpu.memory_space<hbm>> -> memref<128x128xf32, #tpu.memory_space<hbm>>
        tpu.enqueue_dma source(%dma_start3A_126 : memref<128x128xf32, #tpu.memory_space<hbm>>) target(%arg11 : memref<128x128xf32, #tpu.memory_space<vmem>>) target_semaphore(%arg17 : memref<!tpu.dma_semaphore, #tpu.memory_space<semaphore_mem>>)
      } else {
      }
    }
    %scan3A_43 = arith.constant 26 : i32
    %lt3A_44 = arith.constant 2 : i32
    %lt3A_45 = arith.cmpi slt, %arg1, %lt3A_44 : i32
    %convert_element_type3A = arith.extui %lt3A_45 : i1 to i32
    %cond3A = arith.constant 0 : i32
    %cond3A_46 = arith.cmpi ne, %convert_element_type3A, %cond3A : i32
    scf.if %cond3A_46 {
      %dma_wait3A = arith.constant 0 : i32
      %dma_wait3A_58 = tpu.memref_slice %arg3[%dma_wait3A] : memref<160000xi32, #tpu.memory_space<hbm>> -> memref<128xi32, #tpu.memory_space<hbm>>
      %dma_wait3A_59 = arith.constant 0 : i32
      %dma_wait3A_60 = tpu.memref_slice %arg3[%dma_wait3A_59] : memref<160000xi32, #tpu.memory_space<hbm>> -> memref<128xi32, #tpu.memory_space<hbm>>
      tpu.wait_dma2 semaphore(%arg12 : memref<!tpu.dma_semaphore, #tpu.memory_space<semaphore_mem>>) src(%dma_wait3A_60 : memref<128xi32, #tpu.memory_space<hbm>>) dst(%arg6 : memref<128xi32, #tpu.memory_space<vmem>>)
      %dma_wait3A_61 = arith.constant 0 : i32
      %dma_wait3A_62 = arith.constant 0 : i32
      %dma_wait3A_63 = tpu.memref_slice %arg2[%dma_wait3A_61, %dma_wait3A_62] : memref<160000x256xf32, #tpu.memory_space<hbm>> -> memref<128x128xf32, #tpu.memory_space<hbm>>
      %dma_wait3A_64 = arith.constant 0 : i32
      %dma_wait3A_65 = arith.constant 0 : i32
      %dma_wait3A_66 = tpu.memref_slice %arg2[%dma_wait3A_64, %dma_wait3A_65] : memref<160000x256xf32, #tpu.memory_space<hbm>> -> memref<128x128xf32, #tpu.memory_space<hbm>>
      tpu.wait_dma2 semaphore(%arg15 : memref<!tpu.dma_semaphore, #tpu.memory_space<semaphore_mem>>) src(%dma_wait3A_66 : memref<128x128xf32, #tpu.memory_space<hbm>>) dst(%arg9 : memref<128x128xf32, #tpu.memory_space<vmem>>)
      "tpu.region"() ({
        %run_scoped3A = tpu.sem_alloc : memref<!tpu.dma_semaphore, #tpu.memory_space<semaphore_mem>>
        %dma_start3A_67 = arith.constant 0 : i32
        %dma_start3A_68 = arith.constant 0 : i32
        %dma_start3A_69 = tpu.memref_slice %arg18[%dma_start3A_67, %dma_start3A_68] : memref<10000x128xf32, #tpu.memory_space<vmem_shared>> -> memref<10000x128xf32, #tpu.memory_space<vmem_shared>>
        tpu.enqueue_indirect_dma source(%arg9 : memref<128x128xf32, #tpu.memory_space<vmem>>) target(%dma_start3A_69 : memref<10000x128xf32, #tpu.memory_space<vmem_shared>>) offsets(%arg6 : memref<128xi32, #tpu.memory_space<vmem>>) semaphore(%run_scoped3A : memref<!tpu.dma_semaphore, #tpu.memory_space<semaphore_mem>>) {add = true}
        %dma_wait3A_70 = arith.constant 0 : i32
        %dma_wait3A_71 = arith.constant 0 : i32
        %dma_wait3A_72 = tpu.memref_slice %arg18[%dma_wait3A_70, %dma_wait3A_71] : memref<10000x128xf32, #tpu.memory_space<vmem_shared>> -> memref<10000x128xf32, #tpu.memory_space<vmem_shared>>
        tpu.wait_indirect_dma semaphore(%run_scoped3A : memref<!tpu.dma_semaphore, #tpu.memory_space<semaphore_mem>>) src(%arg9 : memref<128x128xf32, #tpu.memory_space<vmem>>) dst(%dma_wait3A_72 : memref<10000x128xf32, #tpu.memory_space<vmem_shared>>)
        tpu.yield
      }) : () -> ()
    } else {
    }
    %barrier3A_47 = arith.constant 0 : index
    tpu.barrier barrier_id(%barrier3A_47)
    %while3A_48 = arith.constant 0 : i32
    %while3A_49 = arith.constant 0 : i32
    %while3A_50 = arith.subi %select_n3A_12, %while3A_49 : i32
    %while3A_51 = arith.addi %while3A_49, %while3A_50 : i32
    %while3A_52 = arith.constant 1 : i32
    %while3A_53 = arith.divsi %while3A_50, %while3A_52 : i32
    %while3A_54 = arith.muli %while3A_53, %while3A_52 : i32
    %while3A_55 = arith.addi %while3A_49, %while3A_54 : i32
    %while3A_56 = arith.constant 1 : i32
    scf.for %while3A_58 = %while3A_49 to %while3A_55 step %while3A_56  : i32 {
      %mul3A_59 = arith.constant 16 : i32
      %mul3A_60 = arith.muli %mul3A_59, %while3A_58 : i32
      %add3A_61 = arith.addi %arg1, %mul3A_60 : i32
      %mul3A_62 = arith.constant 80 : i32
      %mul3A_63 = arith.muli %add3A_61, %mul3A_62 : i32
      "tpu.region"() ({
        %run_scoped3A = tpu.sem_alloc : memref<!tpu.dma_semaphore, #tpu.memory_space<semaphore_mem>>
        %dma_start3A_64 = arith.constant 0 : i32
        %dma_start3A_65 = arith.constant 0 : i32
        %dma_start3A_66 = tpu.memref_slice %arg9[%dma_start3A_64, %dma_start3A_65] : memref<128x128xf32, #tpu.memory_space<vmem>> -> memref<80x128xf32, #tpu.memory_space<vmem>>
        %dma_start3A_67 = arith.constant 0 : i32
        %dma_start3A_68 = tpu.memref_slice %arg18[%mul3A_63, %dma_start3A_67] : memref<10000x128xf32, #tpu.memory_space<vmem_shared>> -> memref<80x128xf32, #tpu.memory_space<vmem_shared>>
        %dma_start3A_69 = arith.constant 0 : i32
        %dma_start3A_70 = arith.constant 0 : i32
        %dma_start3A_71 = tpu.memref_slice %arg9[%dma_start3A_69, %dma_start3A_70] : memref<128x128xf32, #tpu.memory_space<vmem>> -> memref<80x128xf32, #tpu.memory_space<vmem>>
        %dma_start3A_72 = arith.constant 0 : i32
        %dma_start3A_73 = tpu.memref_slice %arg18[%mul3A_63, %dma_start3A_72] : memref<10000x128xf32, #tpu.memory_space<vmem_shared>> -> memref<80x128xf32, #tpu.memory_space<vmem_shared>>
        tpu.enqueue_dma source(%dma_start3A_73 : memref<80x128xf32, #tpu.memory_space<vmem_shared>>) target(%dma_start3A_71 : memref<80x128xf32, #tpu.memory_space<vmem>>) target_semaphore(%run_scoped3A : memref<!tpu.dma_semaphore, #tpu.memory_space<semaphore_mem>>)
        %dma_wait3A = arith.constant 0 : i32
        %dma_wait3A_74 = arith.constant 0 : i32
        %dma_wait3A_75 = tpu.memref_slice %arg9[%dma_wait3A, %dma_wait3A_74] : memref<128x128xf32, #tpu.memory_space<vmem>> -> memref<80x128xf32, #tpu.memory_space<vmem>>
        %dma_wait3A_76 = arith.constant 0 : i32
        %dma_wait3A_77 = tpu.memref_slice %arg18[%mul3A_63, %dma_wait3A_76] : memref<10000x128xf32, #tpu.memory_space<vmem_shared>> -> memref<80x128xf32, #tpu.memory_space<vmem_shared>>
        %dma_wait3A_78 = arith.constant 0 : i32
        %dma_wait3A_79 = arith.constant 0 : i32
        %dma_wait3A_80 = tpu.memref_slice %arg9[%dma_wait3A_78, %dma_wait3A_79] : memref<128x128xf32, #tpu.memory_space<vmem>> -> memref<80x128xf32, #tpu.memory_space<vmem>>
        %dma_wait3A_81 = arith.constant 0 : i32
        %dma_wait3A_82 = tpu.memref_slice %arg18[%mul3A_63, %dma_wait3A_81] : memref<10000x128xf32, #tpu.memory_space<vmem_shared>> -> memref<80x128xf32, #tpu.memory_space<vmem_shared>>
        tpu.wait_dma2 semaphore(%run_scoped3A : memref<!tpu.dma_semaphore, #tpu.memory_space<semaphore_mem>>) src(%dma_wait3A_82 : memref<80x128xf32, #tpu.memory_space<vmem_shared>>) dst(%dma_wait3A_80 : memref<80x128xf32, #tpu.memory_space<vmem>>)
        tpu.yield
      }) : () -> ()
      "tpu.region"() ({
        %run_scoped3A = tpu.sem_alloc : memref<!tpu.dma_semaphore, #tpu.memory_space<semaphore_mem>>
        %dma_start3A_64 = arith.constant 0 : i32
        %dma_start3A_65 = arith.constant 0 : i32
        %dma_start3A_66 = tpu.memref_slice %arg9[%dma_start3A_64, %dma_start3A_65] : memref<128x128xf32, #tpu.memory_space<vmem>> -> memref<80x128xf32, #tpu.memory_space<vmem>>
        %dma_start3A_67 = tpu.memref_slice %arg5[%mul3A_63, %mul3A_0] : memref<10000x256xf32, #tpu.memory_space<hbm>> -> memref<80x128xf32, #tpu.memory_space<hbm>>
        %dma_start3A_68 = tpu.memref_slice %arg5[%mul3A_63, %mul3A_0] : memref<10000x256xf32, #tpu.memory_space<hbm>> -> memref<80x128xf32, #tpu.memory_space<hbm>>
        %dma_start3A_69 = arith.constant 0 : i32
        %dma_start3A_70 = arith.constant 0 : i32
        %dma_start3A_71 = tpu.memref_slice %arg9[%dma_start3A_69, %dma_start3A_70] : memref<128x128xf32, #tpu.memory_space<vmem>> -> memref<80x128xf32, #tpu.memory_space<vmem>>
        tpu.enqueue_dma source(%dma_start3A_71 : memref<80x128xf32, #tpu.memory_space<vmem>>) target(%dma_start3A_68 : memref<80x128xf32, #tpu.memory_space<hbm>>) target_semaphore(%run_scoped3A : memref<!tpu.dma_semaphore, #tpu.memory_space<semaphore_mem>>)
        %dma_wait3A = arith.constant 0 : i32
        %dma_wait3A_72 = arith.constant 0 : i32
        %dma_wait3A_73 = tpu.memref_slice %arg9[%dma_wait3A, %dma_wait3A_72] : memref<128x128xf32, #tpu.memory_space<vmem>> -> memref<80x128xf32, #tpu.memory_space<vmem>>
        %dma_wait3A_74 = tpu.memref_slice %arg5[%mul3A_63, %mul3A_0] : memref<10000x256xf32, #tpu.memory_space<hbm>> -> memref<80x128xf32, #tpu.memory_space<hbm>>
        %dma_wait3A_75 = tpu.memref_slice %arg5[%mul3A_63, %mul3A_0] : memref<10000x256xf32, #tpu.memory_space<hbm>> -> memref<80x128xf32, #tpu.memory_space<hbm>>
        %dma_wait3A_76 = arith.constant 0 : i32
        %dma_wait3A_77 = arith.constant 0 : i32
        %dma_wait3A_78 = tpu.memref_slice %arg9[%dma_wait3A_76, %dma_wait3A_77] : memref<128x128xf32, #tpu.memory_space<vmem>> -> memref<80x128xf32, #tpu.memory_space<vmem>>
        tpu.wait_dma2 semaphore(%run_scoped3A : memref<!tpu.dma_semaphore, #tpu.memory_space<semaphore_mem>>) src(%dma_wait3A_78 : memref<80x128xf32, #tpu.memory_space<vmem>>) dst(%dma_wait3A_75 : memref<80x128xf32, #tpu.memory_space<hbm>>)
        tpu.yield
      }) : () -> ()
    }
    %while3A_57 = arith.constant 1 : i32
    scf.for %while3A_58 = %while3A_55 to %while3A_51 step %while3A_57  : i32 {
      %mul3A_59 = arith.constant 16 : i32
      %mul3A_60 = arith.muli %mul3A_59, %while3A_58 : i32
      %add3A_61 = arith.addi %arg1, %mul3A_60 : i32
      %mul3A_62 = arith.constant 80 : i32
      %mul3A_63 = arith.muli %add3A_61, %mul3A_62 : i32
      "tpu.region"() ({
        %run_scoped3A = tpu.sem_alloc : memref<!tpu.dma_semaphore, #tpu.memory_space<semaphore_mem>>
        %dma_start3A_64 = arith.constant 0 : i32
        %dma_start3A_65 = arith.constant 0 : i32
        %dma_start3A_66 = tpu.memref_slice %arg9[%dma_start3A_64, %dma_start3A_65] : memref<128x128xf32, #tpu.memory_space<vmem>> -> memref<80x128xf32, #tpu.memory_space<vmem>>
        %dma_start3A_67 = arith.constant 0 : i32
        %dma_start3A_68 = tpu.memref_slice %arg18[%mul3A_63, %dma_start3A_67] : memref<10000x128xf32, #tpu.memory_space<vmem_shared>> -> memref<80x128xf32, #tpu.memory_space<vmem_shared>>
        %dma_start3A_69 = arith.constant 0 : i32
        %dma_start3A_70 = arith.constant 0 : i32
        %dma_start3A_71 = tpu.memref_slice %arg9[%dma_start3A_69, %dma_start3A_70] : memref<128x128xf32, #tpu.memory_space<vmem>> -> memref<80x128xf32, #tpu.memory_space<vmem>>
        %dma_start3A_72 = arith.constant 0 : i32
        %dma_start3A_73 = tpu.memref_slice %arg18[%mul3A_63, %dma_start3A_72] : memref<10000x128xf32, #tpu.memory_space<vmem_shared>> -> memref<80x128xf32, #tpu.memory_space<vmem_shared>>
        tpu.enqueue_dma source(%dma_start3A_73 : memref<80x128xf32, #tpu.memory_space<vmem_shared>>) target(%dma_start3A_71 : memref<80x128xf32, #tpu.memory_space<vmem>>) target_semaphore(%run_scoped3A : memref<!tpu.dma_semaphore, #tpu.memory_space<semaphore_mem>>)
        %dma_wait3A = arith.constant 0 : i32
        %dma_wait3A_74 = arith.constant 0 : i32
        %dma_wait3A_75 = tpu.memref_slice %arg9[%dma_wait3A, %dma_wait3A_74] : memref<128x128xf32, #tpu.memory_space<vmem>> -> memref<80x128xf32, #tpu.memory_space<vmem>>
        %dma_wait3A_76 = arith.constant 0 : i32
        %dma_wait3A_77 = tpu.memref_slice %arg18[%mul3A_63, %dma_wait3A_76] : memref<10000x128xf32, #tpu.memory_space<vmem_shared>> -> memref<80x128xf32, #tpu.memory_space<vmem_shared>>
        %dma_wait3A_78 = arith.constant 0 : i32
        %dma_wait3A_79 = arith.constant 0 : i32
        %dma_wait3A_80 = tpu.memref_slice %arg9[%dma_wait3A_78, %dma_wait3A_79] : memref<128x128xf32, #tpu.memory_space<vmem>> -> memref<80x128xf32, #tpu.memory_space<vmem>>
        %dma_wait3A_81 = arith.constant 0 : i32
        %dma_wait3A_82 = tpu.memref_slice %arg18[%mul3A_63, %dma_wait3A_81] : memref<10000x128xf32, #tpu.memory_space<vmem_shared>> -> memref<80x128xf32, #tpu.memory_space<vmem_shared>>
        tpu.wait_dma2 semaphore(%run_scoped3A : memref<!tpu.dma_semaphore, #tpu.memory_space<semaphore_mem>>) src(%dma_wait3A_82 : memref<80x128xf32, #tpu.memory_space<vmem_shared>>) dst(%dma_wait3A_80 : memref<80x128xf32, #tpu.memory_space<vmem>>)
        tpu.yield
      }) : () -> ()
      "tpu.region"() ({
        %run_scoped3A = tpu.sem_alloc : memref<!tpu.dma_semaphore, #tpu.memory_space<semaphore_mem>>
        %dma_start3A_64 = arith.constant 0 : i32
        %dma_start3A_65 = arith.constant 0 : i32
        %dma_start3A_66 = tpu.memref_slice %arg9[%dma_start3A_64, %dma_start3A_65] : memref<128x128xf32, #tpu.memory_space<vmem>> -> memref<80x128xf32, #tpu.memory_space<vmem>>
        %dma_start3A_67 = tpu.memref_slice %arg5[%mul3A_63, %mul3A_0] : memref<10000x256xf32, #tpu.memory_space<hbm>> -> memref<80x128xf32, #tpu.memory_space<hbm>>
        %dma_start3A_68 = tpu.memref_slice %arg5[%mul3A_63, %mul3A_0] : memref<10000x256xf32, #tpu.memory_space<hbm>> -> memref<80x128xf32, #tpu.memory_space<hbm>>
        %dma_start3A_69 = arith.constant 0 : i32
        %dma_start3A_70 = arith.constant 0 : i32
        %dma_start3A_71 = tpu.memref_slice %arg9[%dma_start3A_69, %dma_start3A_70] : memref<128x128xf32, #tpu.memory_space<vmem>> -> memref<80x128xf32, #tpu.memory_space<vmem>>
        tpu.enqueue_dma source(%dma_start3A_71 : memref<80x128xf32, #tpu.memory_space<vmem>>) target(%dma_start3A_68 : memref<80x128xf32, #tpu.memory_space<hbm>>) target_semaphore(%run_scoped3A : memref<!tpu.dma_semaphore, #tpu.memory_space<semaphore_mem>>)
        %dma_wait3A = arith.constant 0 : i32
        %dma_wait3A_72 = arith.constant 0 : i32
        %dma_wait3A_73 = tpu.memref_slice %arg9[%dma_wait3A, %dma_wait3A_72] : memref<128x128xf32, #tpu.memory_space<vmem>> -> memref<80x128xf32, #tpu.memory_space<vmem>>
        %dma_wait3A_74 = tpu.memref_slice %arg5[%mul3A_63, %mul3A_0] : memref<10000x256xf32, #tpu.memory_space<hbm>> -> memref<80x128xf32, #tpu.memory_space<hbm>>
        %dma_wait3A_75 = tpu.memref_slice %arg5[%mul3A_63, %mul3A_0] : memref<10000x256xf32, #tpu.memory_space<hbm>> -> memref<80x128xf32, #tpu.memory_space<hbm>>
        %dma_wait3A_76 = arith.constant 0 : i32
        %dma_wait3A_77 = arith.constant 0 : i32
        %dma_wait3A_78 = tpu.memref_slice %arg9[%dma_wait3A_76, %dma_wait3A_77] : memref<128x128xf32, #tpu.memory_space<vmem>> -> memref<80x128xf32, #tpu.memory_space<vmem>>
        tpu.wait_dma2 semaphore(%run_scoped3A : memref<!tpu.dma_semaphore, #tpu.memory_space<semaphore_mem>>) src(%dma_wait3A_78 : memref<80x128xf32, #tpu.memory_space<vmem>>) dst(%dma_wait3A_75 : memref<80x128xf32, #tpu.memory_space<hbm>>)
        tpu.yield
      }) : () -> ()
    }
    return
  }
}

</mosaic_0001>

<sc_bundles>
// kernel: kernel.3.cloned.1.call-start
scs
__scs_entry_jumppad:
0x0: {  	(pc) =	sbr.rel $0x88, $3  }
0x1: {  	(tag) =	ssettag $0x0;
	lr =	simm.s32 $0x1  }
0x2: {  	[smem:$0x3F9F] =	sst lr;
	_ =	strace $0xD0000000  }
0x3: {  	_ = 	snop  }
0x4: {  	_ = 	snop  }
0x5: {  	_ = 	snop  }
0x6: {  	_ = 	snop  }
0x7: {  	_ = 	snop  }
__scs_overlays_trampoline_lowered:
0x8: {  	[smem:$0x3FAE] =	sst s0  }
0x9: {  	[smem:$0x3FAF] =	sst s1  }
0xa: {  	[smem:$0x3FB0] =	sst s2  }
0xb: {  	[smem:$0x3FB1] =	sst s3  }
0xc: {  	[smem:$0x3FB2] =	sst s4  }
0xd: {  	[smem:$0x3FB3] =	sst s5  }
0xe: {  	[smem:$0x3FB4] =	sst s6  }
0xf: {  	[smem:$0x3FB5] =	sst s7  }
0x10: {  	[smem:$0x3FB6] =	sst s8  }
0x11: {  	[smem:$0x3FB7] =	sst s9;
	s0 =	simm.s32 @!p0 $0x0  }
0x12: {  	s1 =	sld [smem:$0x3F9D];
	s0 =	simm.s32 @p0 $0x1  }
0x13: {  	[smem:$0x3FB8] =	sst s0;
	s0 =	simm.s32 @!p1 $0x0  }
0x14: {  	s2 =	sld [smem:$0x3F9C];
	s0 =	simm.s32 @p1 $0x1  }
0x15: {  	[smem:$0x3FB9] =	sst s0;
	s0 =	simm.s32 @!p2 $0x0  }
0x16: {  	s3 =	sld [smem:$0x3FDB];
	s0 =	simm.s32 @p2 $0x1  }
0x17: {  	s4 =	simm.s32 $0x1BF5;
	[smem:$0x3FBB] =	sst s0  }
0x18: {  	s0 =	sld [smem:$0x3F9E];
	_ =	swait.ge [sflag:s4], $0x0  }
0x19: {  	s7 =	sld [smem:$0x3F9F]  }
0x1a: {  	s8 =	sadd.s32 $0xFFFFE003, lr  }
0x1b: {  	s9 =	sadd.s32 $0xFFFFFEF7, lr;
	s5 =	simm.s32 $0xFFFFFFFF;
	p2 =	slt.u32 s8, $0xFFFFF086  }
0x1c: {  	p1 =	slt.u32 s9, $0xF7A;
	s5 =	simm.s32 @!p2 $0x0  }
0x1d: {  	s5 =	simm.s32 @p1 $0x1;
	p0 =	seq.s32 s7, s2  }
0x1e: {  	s7 =	smul.u32 @!p0 $0xF7A, s2;
	p2 =	seq.s32 @!p0 s5, $0x0  }
0x1f: {  	s9 =	smul.u32 $0xF7A, s1;
	s8 =	simm.s32 @!p0 $0x1BF5;
	p2 =	por !p2, p0  }
0x20: {  	[sflag:s8] =	ssyncset.s32 @!p0 $0xFFFFF086;
	s6 =	sadd.s32 @!p0 s3, s7;
	s7 =	simm.s32 @!p0 $0x108  }
0x21: {  	s3 =	sadd.s32 s3, s9;
	s6 =	sadd.s32 @!p0 $0x88, s6;
	s7 =	simm.s32 @p2 $0x1082  }
0x22: {  	[simem:s7], [sflag:s8] =	dma.local @!p0 [hbm:s6], $0xF7A  }
0x23: {  	s9 =	sor.u32 $0xD0000000, s2;
	s6 =	simm.s32 $0x108;
	_ =	swait.ge @!p0 [sflag:s8], $0x0  }
0x24: {  	s3 =	sadd.s32 $0x88, s3;
	s6 =	simm.s32 @!p1 $0x1082;
	[sflag:s4] =	ssyncset.s32 $0xFFFFF086  }
0x25: {  	[simem:s6], [sflag:s4] =	dma.local [hbm:s3], $0xF7A  }
0x26: {  	[smem:$0x3F9F] =	sst s1;
	(tag) =	ssettag s2;
	_ =	strace s9  }
0x27: {  	s1 =	sld [smem:$0x3FAF]  }
0x28: {  	s2 =	sld [smem:$0x3FB0]  }
0x29: {  	s4 =	sld [smem:$0x3FB2]  }
0x2a: {  	p0 =	seq.s32 s5, $0x0;
	s5 =	sld [smem:$0x3FB3]  }
0x2b: {  	s6 =	sld [smem:$0x3FB4]  }
0x2c: {  	s7 =	sld [smem:$0x3FB5]  }
0x2d: {  	s3 =	simm.s32 $0x108;
	s8 =	sld [smem:$0x3FB6]  }
0x2e: {  	s3 =	simm.s32 @!p0 $0x1082;
	s9 =	sld [smem:$0x3FB7]  }
0x2f: {  	lr =	sadd.s32 s0, s3;
	s0 =	sld [smem:$0x3FAE]  }
0x30: {  	s3 =	sld [smem:$0x3FB1]  }
0x31: {  	[smem:$0x3FBA] =	sst s10  }
0x32: {  	s10 =	sld [smem:$0x3FB8];
	_ =	sdelay $0x3  }
0x33: {  	p0 =	seq.s32 s10, $0x1;
	s10 =	sld [smem:$0x3FBA];
	_ =	sdelay $0x3  }
0x34: {  	[smem:$0x3FBA] =	sst s10  }
0x35: {  	s10 =	sld [smem:$0x3FB9];
	_ =	sdelay $0x3  }
0x36: {  	p1 =	seq.s32 s10, $0x1;
	s10 =	sld [smem:$0x3FBA];
	_ =	sdelay $0x3  }
0x37: {  	[smem:$0x3FBA] =	sst s10  }
0x38: {  	s10 =	sld [smem:$0x3FBB]  }
0x39: {  	_ = 	snop;
	(pc) =	sbr.ind lr, $3  }
0x3a: {  	_ = 	snop  }
0x3b: {  	_ = 	snop  }
0x3c: {  	p2 =	seq.s32 s10, $0x1;
	s10 =	sld [smem:$0x3FBA]  }
0x3d: {  	_ =	shalt  }
0x3e: {  	_ =	shalt  }
0x3f: {  	_ =	shalt  }
0x40: {  	_ =	shalt  }
0x41: {  	_ =	shalt  }
0x42: {  	_ =	shalt  }
0x43: {  	_ =	shalt  }
0x44: {  	_ =	shalt  }
0x45: {  	_ =	shalt  }
0x46: {  	_ =	shalt  }
0x47: {  	_ =	shalt  }
0x48: {  	_ =	shalt  }
0x49: {  	_ =	shalt  }
0x4a: {  	_ =	shalt  }
0x4b: {  	_ =	shalt  }
0x4c: {  	_ =	shalt  }
0x4d: {  	_ =	shalt  }
0x4e: {  	_ =	shalt  }
0x4f: {  	_ =	shalt  }
0x50: {  	_ =	shalt  }
0x51: {  	_ =	shalt  }
0x52: {  	_ =	shalt  }
0x53: {  	_ =	shalt  }
0x54: {  	_ =	shalt  }
0x55: {  	_ =	shalt  }
0x56: {  	_ =	shalt  }
0x57: {  	_ =	shalt  }
0x58: {  	_ =	shalt  }
0x59: {  	_ =	shalt  }
0x5a: {  	_ =	shalt  }
0x5b: {  	_ =	shalt  }
0x5c: {  	_ =	shalt  }
0x5d: {  	_ =	shalt  }
0x5e: {  	_ =	shalt  }
0x5f: {  	_ =	shalt  }
0x60: {  	_ =	shalt  }
0x61: {  	_ =	shalt  }
0x62: {  	_ =	shalt  }
0x63: {  	_ =	shalt  }
0x64: {  	_ =	shalt  }
0x65: {  	_ =	shalt  }
0x66: {  	_ =	shalt  }
0x67: {  	_ =	shalt  }
0x68: {  	_ =	shalt  }
0x69: {  	_ =	shalt  }
0x6a: {  	_ =	shalt  }
0x6b: {  	_ =	shalt  }
0x6c: {  	_ =	shalt  }
0x6d: {  	_ =	shalt  }
0x6e: {  	_ =	shalt  }
0x6f: {  	_ =	shalt  }
0x70: {  	_ =	shalt  }
0x71: {  	_ =	shalt  }
0x72: {  	_ =	shalt  }
0x73: {  	_ =	shalt  }
0x74: {  	_ =	shalt  }
0x75: {  	_ =	shalt  }
0x76: {  	_ =	shalt  }
0x77: {  	_ =	shalt  }
0x78: {  	_ =	shalt  }
0x79: {  	_ =	shalt  }
0x7a: {  	_ =	shalt  }
0x7b: {  	_ =	shalt  }
0x7c: {  	_ =	shalt  }
0x7d: {  	_ =	shalt  }
0x7e: {  	_ =	shalt  }
0x7f: {  	_ =	shalt  }
0x80: {  	_ =	shalt  }
0x81: {  	_ =	shalt  }
0x82: {  	_ =	shalt  }
0x83: {  	_ =	shalt  }
0x84: {  	_ =	shalt  }
0x85: {  	_ =	shalt  }
0x86: {  	_ =	shalt  }
0x87: {  	_ =	shalt  }
.Lfunc_end0:
.L_simem_size_0:
called_computation_lowered:
.L_overlay_start_0:
0x88: {  	s2 =	sld [smem:$0x3FD9]  }
0x89: {  	s3 =	sld [smem:$0x3FFE];
	_ =	sdelay $0x1  }
0x8a: {  	s1 =	srdreg.scid  }
0x8b: {  	s0 =	sand.u32 $0x1, s1  }
0x8c: {  	s15 =	sshll.u32 s0, $0xA;
	s2 =	sadd.s32 s3, s2  }
0x8d: {  	s2 =	sadd.s32 s2, s15  }
0x8e: {  	[smem:$0x3FC6] =	sst s2  }
0x8f: {  	_ = 	snop  }
0x90: {  	s2 =	sld [smem:$0x3FD0];
	_ =	sdelay $0x1  }
0x91: {  	s16 =	sld [smem:$0x3FC9]  }
0x92: {  	s5 =	simm.s32 $0xA;
	s6 =	simm.s32 $0x10;
	s4 =	sld [smem:$0x3FC8]  }
0x93: {  	[smem:s6], [sflag:s5] =	dma.local [hbm:s2], $0x1  }
0x94: {  	_ =	swait.eq [sflag:s5], $0x1  }
0x95: {  	[sflag:s5] =	ssyncset.done $0x0  }
0x96: {  	s17 =	sld [smem:$0x11];
	[sflag:s5] =	ssyncadd.s32 $0xFFFFFFFF  }
0x97: {  	s18 =	sld [smem:$0x12];
	(tm) =	ssettm $0x1  }
0x98: {  	s19 =	sld [smem:$0x3FFB];
	_ =	sdelay $0x3  }
0x99: {  	_ =	strace s19  }
0x9a: {  	s6 =	sld [smem:$0x3FFC];
	_ =	sdelay $0x3  }
0x9b: {  	_ =	strace s6  }
0x9c: {  	s6 =	sld [smem:$0x3FFD];
	_ =	sdelay $0x3  }
0x9d: {  	_ =	strace s6  }
0x9e: {  	_ =	strace $0x8FFFFFFF  }
0x9f: {  	s20 =	sld [smem:$0x3FDB];
	_ =	sdelay $0x1  }
0xa0: {  	s7 =	simm.s32 $_scs_section_size  }
0xa1: {  	s8 =	simm.s32 $_size__tile_overlayer_lowered;
	s9 =	simm.s32 $_tile_overlayer_lowered  }
0xa2: {  	s23 =	simm.s32 $0x1BFF;
	s22 =	sshll.u32 s9, $0x1;
	s6 =	sadd.s32 s7, s20  }
0xa3: {  	s10 =	simm.s32 $0x0;
	s21 =	sshll.u32 s8, $0x1;
	s8 =	sadd.s32 s22, s6  }
0xa4: {  	[timem:s10], [sflag:s23] =	dma.local [hbm:s8], s21  }
0xa5: {  	_ =	swait.ge [sflag:s23], s21  }
0xa6: {  	s7 =	ssub.s32 $0x0, s21;
	[sflag:s23] =	ssyncset.done $0x0  }
0xa7: {  	[sflag:s23] =	ssyncadd.s32 s7;
	_ =	sdelay $0x1  }
0xa8: {  	s24 =	simm.s32 $0x1B8B  }
0xa9: {  	_ =	swait.ge [sflag:s24], $0x1  }
0xaa: {  	[sflag:s24] =	ssyncset.done $0x0  }
0xab: {  	s25 =	simm.s32 $0x1B8E;
	[sflag:s24] =	ssyncadd.s32 $0xFFFFFFFF  }
0xac: {  	s26 =	simm.s32 $execute0_lowered;
	[smem:$0x3FD2] =	sst s25  }
0xad: {  	s7 =	sshll.u32 s26, $0x1;
	_ =	strace $0x80000046;
	[dreg:$0x1] =	wrdreg $0xFFFFFFFF  }
0xae: {  	s28 =	simm.s32 $_size_execute0_lowered;
	s6 =	sadd.s32 s6, s7;
	[dreg:$0x0] =	wrdreg $0x0  }
0xaf: {  	s7 =	sshll.u32 s28, $0x1;
	[dreg:$0x2] =	wrdreg s6  }
0xb0: {  	[dreg:$0x3] =	wrdreg s7  }
0xb1: {  	[dreg:$0x4] =	wrdreg $0xC0  }
0xb2: {  	_ =	task [dreg:s10], $0x5FFFF  }
0xb3: {  	[dreg:$0x1] =	wrdreg $0xFFFFFFFF  }
0xb4: {  	[dreg:$0x0] =	wrdreg $0x60  }
0xb5: {  	[dreg:$0x2] =	wrdreg s16  }
0xb6: {  	[dreg:$0x3] =	wrdreg s4  }
0xb7: {  	[dreg:$0x4] =	wrdreg s17  }
0xb8: {  	[dreg:$0x5] =	wrdreg s18  }
0xb9: {  	[dreg:$0x6] =	wrdreg $0xC1800  }
0xba: {  	[dreg:$0x7] =	wrdreg $0x9  }
0xbb: {  	_ =	task.clear_ibuf [dreg:s10], $0x8FFFF;
	_ =	strace $0x90000046  }
0xbc: {  	s29 =	simm.s32 $0x9;
	_ =	strace $0x80000048  }
0xbd: {  	_ =	swait.ge [sflag:s29], $0x1  }
0xbe: {  	[sflag:s29] =	ssyncadd.s32 $0xFFFFFFFF  }
0xbf: {  	_ =	strace $0x90000048  }
0xc0: {  	_ =	sfence  }
0xc1: {  	s30 =	sld [smem:$0x0];
	_ =	sdelay $0x2  }
0xc2: {  	s31 =	sshll.u32 s1, $0xD;
	s1 =	sshrl.u32 s1, $0x2  }
0xc3: {  	s3 =	sand.u32 $0x4000, s31;
	s1 =	sadd.s32 s1, s30  }
0xc4: {  	s0 =	sor.u32 s3, s0;
	s1 =	sshll.u32 s1, $0x11  }
0xc5: {  	s0 =	sor.u32 s1, s0  }
0xc6: {  	s0 =	sadd.s32 $0x8F2B, s0  }
0xc7: {  	[sflag:s0] =	ssyncadd.remote.s32 $0x1  }
0xc8: {  	_ =	sfence.sel $0xFFFF  }
0xc9: {  	[dreg:$0x0] =	wrdreg $0xFFFFFFFF;
	(pc) =	sbr.abs _section_cstart, $3  }
0xca: {  	[dreg:$0x1] =	wrdreg $0xFFFFFFFF  }
0xcb: {  	_ =	task.clear_ibuf [dreg:s10], $0x2FFFF;
	_ =	strace $0x9FFFFFFF  }
0xcc: {  	(tm) =	ssettm $0x7FFFFFFF  }
0xcd: {  	_ =	shalt  }
tec
execute0_lowered:
.L_overlay_start_1:
0x0: {  	(tag) =	ssettag $0x1  }
0x1: {  	s1 =	rddreg [dreg:$0x0]  }
0x2: {  	s0 =	rddreg [dreg:$0x1]  }
0x3: {  	s5 =	rddreg [dreg:$0x4]  }
0x4: {  	s2 =	srdreg.scid;
	s4 =	stileid.u32  }
0x5: {  	s6 =	simm.s32 $0x0;
	s15 =	simm.s32 $0x8;
	s28 =	simm.s32 $0x8180  }
0x6: {  	s29 =	simm.s32 $0x7;
	s30 =	simm.s32 $0x100;
	s31 =	simm.s32 $0x1  }
0x7: {  	s2 =	sand.u32 $0x1, s2;
	s7 =	smul.u32 $0x4E, s4;
	[smem:$0x7FF] =	sst s6  }
0x8: {  	s9 =	smin.u32 s4, $0x2;
	p0 =	slt.u32 s4, $0x2;
	s26 =	smul.u32 $0xA000, s4  }
0x9: {  	s14 =	smul.u32 $0x4E0, s4;
	s3 =	ssub.s32 $0x2, s2;
	_ =	strace $0x80000047  }
0xa: {  	s2 =	sshll.u32 s2, $0xA;
	s17 =	sshll.u32 s9, $0xF;
	s8 =	sshrl.u32 s3, $0x1  }
0xb: {  	s19 =	sadd.s32 s9, s7;
	s7 =	simm.s32 $0x4F;
	s13 =	sshrl.u32 s26, $0x2  }
0xc: {  	s3 =	ssub.s32 s3, s8;
	s10 =	sshll.u32 s19, $0x7;
	s7 =	simm.s32 @!p0 $0x4E  }
0xd: {  	p0 =	slt.u32 s4, $0xD;
	s11 =	sshll.u32 s19, $0xF;
	s8 =	sshll.u32 s19, $0x4  }
0xe: {  	s16 =	sadd.s32 s13, s5;
	s19 =	sshll.u32 s9, $0x4;
	s15 =	simm.s32 @!p0 $0x7  }
0xf: {  	s11 =	sor.u32 s2, s11;
	s12 =	sadd.s32 $0x80, s10;
	s8 =	sadd.s32 s0, s8  }
0x10: {  	s10 =	sadd.s32 $0x100, s10;
	s3 =	smax.u32 s3, $0x1;
	[dreg:$0xe] =	wrdreg s16  }
0x11: {  	p0 =	sgt.u32 s4, $0x1;
	[dreg:$0x7] =	wrdreg s8;
	s20 =	sshrl.u32 s11, $0x3  }
0x12: {  	s21 =	sshll.u32 s12, $0x8;
	s23 =	sshrl.u32 s12, $0x3;
	s24 =	sshll.u32 s10, $0x8  }
0x13: {  	s10 =	sshrl.u32 s10, $0x3;
	s12 =	smul.u32 $0x270000, s4;
	[dreg:$0xd] =	wrdreg s3  }
0x14: {  	[dreg:$0x6] =	wrdreg s15;
	s8 =	sadd.s32 s1, s20;
	s22 =	sor.u32 s2, s21  }
0x15: {  	s11 =	sadd.s32 s0, s23;
	s25 =	sor.u32 s2, s24;
	[dreg:$0x8] =	wrdreg s8  }
0x16: {  	s10 =	sadd.s32 s0, s10;
	s0 =	sadd.s32 s14, s0;
	[dreg:$0x9] =	wrdreg s11  }
0x17: {  	s8 =	sshrl.u32 s22, $0x3;
	[dreg:$0xb] =	wrdreg s10;
	s18 =	sadd.s32 s17, s12  }
0x18: {  	s0 =	sadd.s32 s19, s0;
	s22 =	smul.u32 $0x5000, s4;
	s10 =	simm.s32 $0x6  }
0x19: {  	s8 =	sadd.s32 s1, s8;
	s3 =	sor.u32 s2, s18;
	s0 =	sadd.s32 $0x50, s0  }
0x1a: {  	[dreg:$0xa] =	wrdreg s8;
	s8 =	sshrl.u32 s25, $0x3;
	s20 =	sadd.s32 $0x28000, s3  }
0x1b: {  	s21 =	sadd.s32 $0x20000, s3;
	[dreg:$0xf] =	wrdreg s0;
	s25 =	sadd.s32 $0x18000, s3  }
0x1c: {  	s26 =	sor.u32 s2, s22;
	s22 =	simm.s32 $0x400;
	s0 =	simm.s32 $0x4  }
0x1d: {  	s3 =	simm.s32 $0x2;
	s2 =	simm.s32 $0x5;
	[dreg:$0x12] =	wrdreg s25  }
0x1e: {  	s8 =	sadd.s32 s1, s8;
	s9 =	sshrl.u32 s21, $0x3;
	[dreg:$0x13] =	wrdreg s26  }
0x1f: {  	s25 =	simm.s32 $0x80;
	s26 =	simm.s32 $0x4180;
	[dreg:$0xc] =	wrdreg s8  }
0x20: {  	s8 =	sshrl.u32 s20, $0x3;
	s24 =	sadd.s32 s9, s1;
	s9 =	simm.s32 $0x3  }
0x21: {  	s23 =	sadd.s32 s8, s1;
	[dreg:$0x11] =	wrdreg s24;
	s24 =	simm.s32 $0x180  }
0x22: {  	s8 =	simm.s32 $0x0;
	[dreg:$0x10] =	wrdreg s23;
	s23 =	simm.s32 $0x800  }
.LBB2_1:
0x23: {  	[dreg:$0x14] =	wrdreg s8  }
0x24: {  	s4 =	rddreg [dreg:$0x7]  }
0x25: {  	[tilespmem:s6], [sflag:$0x1] =	stream.linear.gather [hbm4b:s4+s6], $0x80, $0x38;
	[tilespmem:$0x1FA00] =	vst v63  }
0x26: {  	s18 =	rddreg [dreg:$0x8]  }
0x27: {  	[tilespmem:s24], [sflag:$0x4] =	stream.strided.gather [hbm4b:s18+s22], $0x4000, s23, s22, $0x38;
	[tilespmem:$0x1FA00] =	vst v63  }
0x28: {  	s19 =	rddreg [dreg:$0x9]  }
0x29: {  	[tilespmem:s25], [sflag:$0x2] =	stream.linear.gather [hbm4b:s19+s6], $0x80, $0x38;
	[tilespmem:$0x1FA00] =	vst v63  }
0x2a: {  	s20 =	rddreg [dreg:$0xa]  }
0x2b: {  	[tilespmem:s26], [sflag:$0x5] =	stream.strided.gather [hbm4b:s20+s22], $0x4000, s23, s22, $0x38;
	[tilespmem:$0x1FA00] =	vst v63  }
0x2c: {  	s21 =	rddreg [dreg:$0x2]  }
0x2d: {  	[tilespmem:s28], [sflag:$0x7] =	stream.linear.gather [hbm4b:s21+s6], $0x2800, $0x38;
	[tilespmem:$0x1FA00] =	vst v63  }
0x2e: {  	p1 =	sne.s32 s15, $0x1;
	_ =	swait.ge [sflag:s29], $0x2800  }
.Ltmp0:
0x2f: {  	[sflag:s29] =	ssyncset.done $0x0;
	(pc) =	sbr.rel @!p1 .LBB2_3-.Ltmp0, $4  }
0x30: {  	[sflag:s29] =	ssyncadd.s32 $0xFFFFD800  }
0x31: {  	[spmem:s16] =	stream.linear.scatter [tilespmem:s28], [sflag:$0x7], $0x2800, $0x38;
	[tilespmem:$0x1FA00] =	vst v63  }
0x32: {  	_ =	swait.ge [sflag:s29], $0x2800  }
0x33: {  	s12 =	sadd.s32 $0xFFFFFFFF, s15;
	s8 =	smov.u32 s16;
	[sflag:s29] =	ssyncset.done $0x0  }
.LBB2_2:
0x34: {  	p2 =	sne.s32 s12, $0x1;
	[sflag:s29] =	ssyncadd.s32 $0xFFFFD800;
	s8 =	sadd.s32 $0x28000, s8  }
.Ltmp1:
0x35: {  	s12 =	sadd.s32 $0xFFFFFFFF, s12;
	(pc) =	sbr.rel @p2 .LBB2_2-.Ltmp1, $4  }
0x36: {  	_ = 	snop  }
0x37: {  	[spmem:s8] =	stream.linear.scatter [tilespmem:s28], [sflag:$0x7], $0x2800, $0x38;
	[tilespmem:$0x1FA00] =	vst v63  }
0x38: {  	_ =	swait.ge [sflag:s29], $0x2800  }
0x39: {  	[sflag:s29] =	ssyncset.done $0x0  }
.LBB2_3:
0x3a: {  	[sflag:s29] =	ssyncadd.s32 $0xFFFFD800;
	s4 =	rddreg [dreg:$0xb]  }
0x3b: {  	[tilespmem:s30], [sflag:$0x3] =	stream.linear.gather [hbm4b:s4+s6], $0x80, $0x38;
	[tilespmem:$0x1FA00] =	vst v63  }
0x3c: {  	s21 =	rddreg [dreg:$0xc]  }
0x3d: {  	[tilespmem:s28], [sflag:$0x6] =	stream.strided.gather [hbm4b:s21+s22], $0x4000, s23, s22, $0x38;
	[tilespmem:$0x1FA00] =	vst v63  }
0x3e: {  	[bflag:$0x0] =	sbarrier.arrive $0xFFFF  }
0x3f: {  	_ =	swait.ge [sflag:s31], $0x80  }
0x40: {  	[sflag:s31] =	ssyncset.done $0x0  }
0x41: {  	[sflag:s31] =	ssyncadd.s32 $0xFFFFFF80  }
0x42: {  	_ =	swait.ge [sflag:s0], $0x4000  }
0x43: {  	[sflag:s0] =	ssyncset.done $0x0  }
0x44: {  	[sflag:s0] =	ssyncadd.s32 $0xFFFFC000  }
0x45: {  	[spmem:s5] =	stream.indirect.scatter.add.f32 [tilespmem:s24], [sflag:$0x7], $0x80, s6, s25, $0xb8;
	[tilespmem:$0x1FA00] =	vst v63  }
0x46: {  	p2 =	sle.u32 s7, $0x3;
	_ =	swait.ge [sflag:s29], $0x4000  }
0x47: {  	s12 =	simm.s32 @!p2 $0x180;
	s17 =	rddreg [dreg:$0xf]  }
0x48: {  	s13 =	simm.s32 @!p2 $0x0;
	[sflag:s29] =	ssyncset.done $0x0;
	s11 =	rddreg [dreg:$0x12]  }
0x49: {  	s8 =	sadd.s32 @!p2 $0xFFFFFFE0, s17;
	[sflag:s29] =	ssyncadd.s32 $0xFFFFC000;
	s14 =	sshrl.u32 @!p2 s11, $0x3  }
0x4a: {  	[tilespmem:s13], [sflag:$0x1] =	stream.linear.gather @!p2 [hbm4b:s8+s13], $0x80, $0x38;
	[tilespmem:$0x1FA00] =	vst v63  }
0x4b: {  	s8 =	sadd.s32 @!p2 s1, s14;
	s13 =	simm.s32 @!p2 $0x400;
	s14 =	simm.s32 @!p2 $0x800  }
0x4c: {  	[tilespmem:s12], [sflag:$0x4] =	stream.strided.gather @!p2 [hbm4b:s8+s13], $0x4000, s14, s13, $0x38;
	[tilespmem:$0x1FA00] =	vst v63  }
0x4d: {  	_ =	swait.ge [sflag:s3], $0x80  }
0x4e: {  	[sflag:s3] =	ssyncset.done $0x0  }
0x4f: {  	[sflag:s3] =	ssyncadd.s32 $0xFFFFFF80  }
0x50: {  	_ =	swait.ge [sflag:s2], $0x4000  }
0x51: {  	[sflag:s2] =	ssyncset.done $0x0  }
0x52: {  	[sflag:s2] =	ssyncadd.s32 $0xFFFFC000  }
0x53: {  	[spmem:s5] =	stream.indirect.scatter.add.f32 [tilespmem:s26], [sflag:$0x7], $0x80, s25, s25, $0xb8;
	[tilespmem:$0x1FA00] =	vst v63  }
0x54: {  	p2 =	sle.u32 s7, $0x4;
	_ =	swait.ge [sflag:s29], $0x4000  }
0x55: {  	s8 =	sadd.s32 @!p2 $0xFFFFFFF0, s17;
	s12 =	simm.s32 @!p2 $0x0;
	[sflag:s29] =	ssyncset.done $0x0  }
0x56: {  	s13 =	simm.s32 @!p2 $0x80;
	s4 =	rddreg [dreg:$0x11];
	[sflag:s29] =	ssyncadd.s32 $0xFFFFC000  }
0x57: {  	[tilespmem:s13], [sflag:$0x2] =	stream.linear.gather @!p2 [hbm4b:s8+s12], $0x80, $0x38;
	[tilespmem:$0x1FA00] =	vst v63  }
0x58: {  	s8 =	simm.s32 @!p2 $0x4180;
	s12 =	simm.s32 @!p2 $0x400;
	s13 =	simm.s32 @!p2 $0x800  }
0x59: {  	[tilespmem:s8], [sflag:$0x5] =	stream.strided.gather @!p2 [hbm4b:s4+s12], $0x4000, s13, s12, $0x38;
	[tilespmem:$0x1FA00] =	vst v63  }
0x5a: {  	_ =	swait.ge [sflag:s9], $0x80  }
0x5b: {  	[sflag:s9] =	ssyncset.done $0x0  }
0x5c: {  	p3 =	sle.u32 s7, $0x5;
	[sflag:s9] =	ssyncadd.s32 $0xFFFFFF80  }
0x5d: {  	s20 =	simm.s32 @!p3 $0x100;
	_ =	swait.ge [sflag:s10], $0x4000  }
0x5e: {  	s16 =	simm.s32 @!p3 $0x800;
	s21 =	simm.s32 @!p3 $0x0;
	[sflag:s10] =	ssyncset.done $0x0  }
0x5f: {  	s19 =	sadd.s32 $0x30, s17;
	s15 =	sadd.s32 $0x3000, s4;
	[sflag:s10] =	ssyncadd.s32 $0xFFFFC000  }
0x60: {  	[spmem:s5] =	stream.indirect.scatter.add.f32 [tilespmem:s28], [sflag:$0x7], $0x80, s30, s25, $0xb8;
	[tilespmem:$0x1FA00] =	vst v63  }
0x61: {  	s12 =	simm.s32 $0x8;
	s18 =	rddreg [dreg:$0x10];
	_ =	swait.ge [sflag:s29], $0x4000  }
0x62: {  	s13 =	sadd.s32 $0x18000, s11;
	s8 =	simm.s32 @!p3 $0x400;
	[sflag:s29] =	ssyncset.done $0x0  }
0x63: {  	s4 =	smov.u32 s1;
	s14 =	sadd.s32 $0x3000, s18;
	[sflag:s29] =	ssyncadd.s32 $0xFFFFC000  }
.LBB2_4:
0x64: {  	[tilespmem:s20], [sflag:$0x3] =	stream.linear.gather @!p3 [hbm4b:s17+s21], $0x80, $0x38;
	[tilespmem:$0x1FA00] =	vst v63  }
0x65: {  	s17 =	simm.s32 @!p3 $0x8180;
	s21 =	smov.u32 s12;
	s12 =	sadd.s32 $0x3, s12  }
0x66: {  	[tilespmem:s17], [sflag:$0x6] =	stream.strided.gather @!p3 [hbm4b:s18+s8], $0x4000, s16, s8, $0x38;
	[tilespmem:$0x1FA00] =	vst v63  }
0x67: {  	p2 =	sne.s32 s12, $0x53;
	s18 =	smov.u32 s14;
	_ =	swait.ge [sflag:s31], $0x80  }
0x68: {  	s17 =	smov.u32 s19;
	[sflag:s31] =	ssyncset.done $0x0  }
0x69: {  	[sflag:s31] =	ssyncadd.s32 $0xFFFFFF80  }
0x6a: {  	_ =	swait.ge [sflag:s0], $0x4000  }
0x6b: {  	[sflag:s0] =	ssyncset.done $0x0  }
0x6c: {  	s8 =	sadd.s32 $0xFFFFFFFE, s21;
	[sflag:s0] =	ssyncadd.s32 $0xFFFFC000  }
0x6d: {  	[spmem:s5] =	stream.indirect.scatter.add.f32 [tilespmem:s24], [sflag:$0x7], $0x80, s6, s25, $0xb8;
	[tilespmem:$0x1FA00] =	vst v63  }
0x6e: {  	p3 =	sge.u32 s8, s7;
	_ =	swait.ge [sflag:s29], $0x4000  }
0x6f: {  	s8 =	sadd.s32 @!p3 $0xFFFFFFE0, s19;
	s16 =	simm.s32 @!p3 $0x180;
	[sflag:s29] =	ssyncset.done $0x0  }
0x70: {  	s20 =	simm.s32 @!p3 $0x0;
	s11 =	sshrl.u32 @!p3 s13, $0x3;
	[sflag:s29] =	ssyncadd.s32 $0xFFFFC000  }
0x71: {  	[tilespmem:s20], [sflag:$0x1] =	stream.linear.gather @!p3 [hbm4b:s8+s20], $0x80, $0x38;
	[tilespmem:$0x1FA00] =	vst v63  }
0x72: {  	s8 =	sadd.s32 @!p3 s4, s11;
	s11 =	simm.s32 @!p3 $0x400;
	s20 =	simm.s32 @!p3 $0x800  }
0x73: {  	[tilespmem:s16], [sflag:$0x4] =	stream.strided.gather @!p3 [hbm4b:s8+s11], $0x4000, s20, s11, $0x38;
	[tilespmem:$0x1FA00] =	vst v63  }
0x74: {  	_ =	swait.ge [sflag:s3], $0x80  }
0x75: {  	[sflag:s3] =	ssyncset.done $0x0  }
0x76: {  	[sflag:s3] =	ssyncadd.s32 $0xFFFFFF80  }
0x77: {  	_ =	swait.ge [sflag:s2], $0x4000  }
0x78: {  	[sflag:s2] =	ssyncset.done $0x0  }
0x79: {  	[sflag:s2] =	ssyncadd.s32 $0xFFFFC000  }
0x7a: {  	[spmem:s5] =	stream.indirect.scatter.add.f32 [tilespmem:s26], [sflag:$0x7], $0x80, s25, s25, $0xb8;
	[tilespmem:$0x1FA00] =	vst v63  }
0x7b: {  	s8 =	sadd.s32 $0xFFFFFFFF, s21;
	_ =	swait.ge [sflag:s29], $0x4000  }
0x7c: {  	p3 =	sge.u32 s8, s7;
	[sflag:s29] =	ssyncset.done $0x0  }
0x7d: {  	s8 =	sadd.s32 @!p3 $0xFFFFFFF0, s19;
	s11 =	simm.s32 @!p3 $0x4180;
	[sflag:s29] =	ssyncadd.s32 $0xFFFFC000  }
0x7e: {  	s16 =	simm.s32 @!p3 $0x0;
	s20 =	simm.s32 @!p3 $0x80;
	s1 =	simm.s32 @!p3 $0x400  }
0x7f: {  	[tilespmem:s20], [sflag:$0x2] =	stream.linear.gather @!p3 [hbm4b:s8+s16], $0x80, $0x38;
	[tilespmem:$0x1FA00] =	vst v63  }
0x80: {  	s8 =	simm.s32 @!p3 $0x800  }
0x81: {  	[tilespmem:s11], [sflag:$0x5] =	stream.strided.gather @!p3 [hbm4b:s15+s1], $0x4000, s8, s1, $0x38;
	[tilespmem:$0x1FA00] =	vst v63  }
0x82: {  	_ =	swait.ge [sflag:s9], $0x80  }
0x83: {  	[sflag:s9] =	ssyncset.done $0x0  }
0x84: {  	[sflag:s9] =	ssyncadd.s32 $0xFFFFFF80  }
0x85: {  	_ =	swait.ge [sflag:s10], $0x4000  }
0x86: {  	s14 =	sadd.s32 $0x3000, s14;
	s13 =	sadd.s32 $0x18000, s13;
	[sflag:s10] =	ssyncset.done $0x0  }
.Ltmp2:
0x87: {  	s15 =	sadd.s32 $0x3000, s15;
	[sflag:s10] =	ssyncadd.s32 $0xFFFFC000;
	(pc) =	sbr.rel @p2 .LBB2_4-.Ltmp2, $4  }
0x88: {  	[spmem:s5] =	stream.indirect.scatter.add.f32 [tilespmem:s28], [sflag:$0x7], $0x80, s30, s25, $0xb8;
	[tilespmem:$0x1FA00] =	vst v63  }
0x89: {  	s19 =	sadd.s32 $0x30, s19;
	p3 =	sge.u32 s21, s7;
	_ =	swait.ge [sflag:s29], $0x4000  }
0x8a: {  	s21 =	simm.s32 @!p3 $0x0;
	s20 =	simm.s32 @!p3 $0x100;
	[sflag:s29] =	ssyncset.done $0x0  }
0x8b: {  	s8 =	simm.s32 @!p3 $0x400;
	s16 =	simm.s32 @!p3 $0x800;
	[sflag:s29] =	ssyncadd.s32 $0xFFFFC000  }
0x8c: {  	[tilespmem:s20], [sflag:$0x3] =	stream.linear.gather @!p3 [hbm4b:s17+s21], $0x80, $0x38;
	[tilespmem:$0x1FA00] =	vst v63  }
0x8d: {  	s1 =	simm.s32 @!p3 $0x8180  }
0x8e: {  	[tilespmem:s1], [sflag:$0x6] =	stream.strided.gather @!p3 [hbm4b:s18+s8], $0x4000, s16, s8, $0x38;
	[tilespmem:$0x1FA00] =	vst v63  }
0x8f: {  	s1 =	simm.s32 @!p0 $0x1  }
0x90: {  	_ =	swait.ge @!p0 [sflag:s1], $0x80  }
0x91: {  	[sflag:s1] =	ssyncset.done @!p0 $0x0  }
0x92: {  	[sflag:s1] =	ssyncadd.s32 @!p0 $0xFFFFFF80;
	s1 =	simm.s32 @!p0 $0x4  }
0x93: {  	_ =	swait.ge @!p0 [sflag:s1], $0x4000  }
0x94: {  	s11 =	simm.s32 @!p0 $0x180;
	[sflag:s1] =	ssyncset.done @!p0 $0x0  }
0x95: {  	s8 =	simm.s32 @!p0 $0x0;
	[sflag:s1] =	ssyncadd.s32 @!p0 $0xFFFFC000;
	s1 =	simm.s32 @!p0 $0x80  }
0x96: {  	[spmem:s5] =	stream.indirect.scatter.add.f32 @!p0 [tilespmem:s11], [sflag:$0x7], $0x80, s8, s1, $0xb8;
	[tilespmem:$0x1FA00] =	vst v63  }
0x97: {  	s1 =	simm.s32 @!p0 $0x7  }
0x98: {  	_ =	swait.ge @!p0 [sflag:s1], $0x4000  }
0x99: {  	[sflag:s1] =	ssyncset.done @!p0 $0x0  }
0x9a: {  	[sflag:s1] =	ssyncadd.s32 @!p0 $0xFFFFC000  }
0x9b: {  	[bflag:$0x0] =	sbarrier.arrive $0xFFFF  }
0x9c: {  	s16 =	rddreg [dreg:$0xe]  }
0x9d: {  	[tilespmem:s24], [sflag:$0x7] =	stream.linear.gather [spmem:s16], $0x2800, $0x38;
	[tilespmem:$0x1FA00] =	vst v63  }
0x9e: {  	_ =	swait.ge [sflag:s29], $0x2800  }
0x9f: {  	[sflag:s29] =	ssyncset.done $0x0  }
0xa0: {  	s14 =	rddreg [dreg:$0x13];
	[sflag:s29] =	ssyncadd.s32 $0xFFFFD800  }
0xa1: {  	s21 =	sshrl.u32 s14, $0x3;
	s8 =	rddreg [dreg:$0x3]  }
.Ltmp3:
0xa2: {  	s1 =	sadd.s32 s8, s21;
	(pc) =	sbr.rel @!p1 .LBB2_7-.Ltmp3, $4  }
0xa3: {  	[hbm4b:s1+s22] =	stream.strided.scatter [tilespmem:s24], [sflag:$0x7], $0x2800, s23, s22, $0x38;
	[tilespmem:$0x1FA00] =	vst v63  }
0xa4: {  	_ =	swait.ge [sflag:s29], $0x2800  }
0xa5: {  	s15 =	rddreg [dreg:$0x6]  }
0xa6: {  	s13 =	smov.u32 s16;
	[sflag:s29] =	ssyncset.done $0x0;
	s12 =	sadd.s32 $0xFFFFFFFF, s15  }
.LBB2_6:
0xa7: {  	[sflag:s29] =	ssyncadd.s32 $0xFFFFD800;
	s13 =	sadd.s32 $0x28000, s13;
	s14 =	sadd.s32 $0x50000, s14  }
0xa8: {  	[tilespmem:s24], [sflag:$0x7] =	stream.linear.gather [spmem:s13], $0x2800, $0x38;
	[tilespmem:$0x1FA00] =	vst v63  }
0xa9: {  	p1 =	sne.s32 s12, $0x1;
	s12 =	sadd.s32 $0xFFFFFFFF, s12;
	_ =	swait.ge [sflag:s29], $0x2800  }
.Ltmp4:
0xaa: {  	s1 =	sshrl.u32 s14, $0x3;
	[sflag:s29] =	ssyncset.done $0x0;
	(pc) =	sbr.rel @p1 .LBB2_6-.Ltmp4, $4  }
0xab: {  	s1 =	sadd.s32 s8, s1;
	[sflag:s29] =	ssyncadd.s32 $0xFFFFD800  }
0xac: {  	[hbm4b:s1+s22] =	stream.strided.scatter [tilespmem:s24], [sflag:$0x7], $0x2800, s23, s22, $0x38;
	[tilespmem:$0x1FA00] =	vst v63  }
0xad: {  	_ =	swait.ge [sflag:s29], $0x2800  }
0xae: {  	[sflag:s29] =	ssyncset.done $0x0  }
.LBB2_7:
0xaf: {  	s8 =	rddreg [dreg:$0x14]  }
0xb0: {  	s1 =	rddreg [dreg:$0xd];
	s8 =	sadd.s32 $0x1, s8  }
0xb1: {  	p1 =	sne.s32 s8, s1  }
.Ltmp5:
0xb2: {  	_ = 	snop;
	(pc) =	sbr.rel @p1 .LBB2_1-.Ltmp5, $2  }
0xb3: {  	_ =	sdelay $0x2  }
0xb4: {  	[sflag:s29] =	ssyncadd.s32 $0xFFFFD800;
	s1 =	smov.u32 s4  }
0xb5: {  	_ =	sfence.sel $0x180000  }
0xb6: {  	[bflag:$0x0] =	sbarrier.arrive $0xFFFF  }
0xb7: {  	_ =	strace $0x90000047  }
0xb8: {  	s0 =	stileid.u32;
	[bflag:$0x2] =	sbarrier.arrive $0xFFFF  }
0xb9: {  	p0 =	sne.s32 s0, $0x0;
	s0 =	rddreg [dreg:$0x5]  }
0xba: {  	s0 =	sadd.s32 @!p0 $0x100000, s0  }
0xbb: {  	[sflag:s0] =	ssyncadd.tile.s32 @!p0 $0x1;
	_ =	shalt  }
.Lfunc_end2:
_tile_overlayer_lowered:
.L_overlay_start_2:
0xbc: {  	(tag) =	ssettag $0x2  }
0xbd: {  	s0 =	rddreg [dreg:$0x0];
	s2 =	stileid.u32  }
0xbe: {  	s1 =	rddreg [dreg:$0x1];
	p0 =	sne.s32 s2, $0x0  }
0xbf: {  	s3 =	rddreg [dreg:$0x2];
	[bflag:$0x3] =	sbarrier.arrive $0xFFFF;
	s2 =	simm.s32 @!p0 $0x1C07  }
0xc0: {  	[timem:s3], [sflag:s2] =	dma.local @!p0 [hbm:s0], s1  }
0xc1: {  	s0 =	simm.s32 @!p0 $0x7  }
0xc2: {  	_ =	swait.ge @!p0 [sflag:s0], s1  }
0xc3: {  	s1 =	ssub.s32 @!p0 $0x0, s1;
	[sflag:s0] =	ssyncset.done @!p0 $0x0  }
0xc4: {  	[sflag:s0] =	ssyncadd.s32 @!p0 s1  }
0xc5: {  	[bflag:$0x3] =	sbarrier.arrive $0xFFFF  }
0xc6: {  	_ =	shalt  }

</sc_bundles>
